<compile_context>
chip_gen: v7x
topology: tpu7x:2x2x1
jax: 0.10.2.dev20260603
libtpu: 0.0.44.dev20260713+nightly
codegen_flags: <defaults>
</compile_context>

<pallas_src>
import functools
import jax
import jax.numpy as jnp
from jax import lax
from jax.experimental import pallas as pl
from jax.experimental.pallas import tpu as pltpu
from jax.experimental.pallas import tpu_sc as plsc

_K = 150
_PC_PAD = 128
_NW_USED = 8


def _pc_body(probs_ref, out_ref):
    p = jnp.clip(probs_ref[...], 0.0, 1.0)
    bits = lax.bitcast_convert_type(p, jnp.int32)

    def step(_, lohi):
        lo, hi = lohi
        mid = lo + (hi - lo) // 2
        ge = jnp.sum((bits >= mid).astype(jnp.int32)) >= _K
        return (jnp.where(ge, mid, lo), jnp.where(ge, hi, mid))

    t, _ = lax.fori_loop(0, 31, step, (jnp.int32(0), jnp.int32(0x3F800001)))

    c_gt = jnp.sum((bits > t).astype(jnp.int32))
    r = _K - c_gt
    eq = bits == t
    row = lax.broadcasted_iota(jnp.int32, (8, 1000), 0)
    col = lax.broadcasted_iota(jnp.int32, (8, 1000), 1)
    flat = row * 1000 + col

    def step2(_, lohi):
        lo, hi = lohi
        mid = lo + (hi - lo) // 2
        ok = jnp.sum((eq & (flat <= mid)).astype(jnp.int32)) >= r
        return (jnp.where(ok, lo, mid), jnp.where(ok, mid, hi))

    _, j = lax.fori_loop(0, 13, step2, (jnp.int32(-1), jnp.int32(7999)))

    sel = (bits > t) | (eq & (flat <= j))
    vals = jnp.where(sel, p, 0.0)
    colsum = jnp.sum(vals, axis=0, keepdims=True)
    cmod = lax.broadcasted_iota(jnp.int32, (1000, _PC_PAD), 0) % 20
    kk = lax.broadcasted_iota(jnp.int32, (1000, _PC_PAD), 1)
    sel_mat = (cmod == kk).astype(jnp.float32)
    out_ref[...] = jnp.dot(colsum, sel_mat, preferred_element_type=jnp.float32)


_pc_call = pl.pallas_call(
    _pc_body,
    out_shape=jax.ShapeDtypeStruct((1, _PC_PAD), jnp.float32),
)


def _sc_body(probs_hbm, rel_hbm, q_hbm, pc_hbm, out_hbm,
             probs_v, rel_v, q_v, pc_v, tmp_v, out_v):
    wid = lax.axis_index("s")

    @pl.when(wid < _NW_USED)
    def _work():
        base = wid * 16
        pltpu.sync_copy(probs_hbm, probs_v)
        pltpu.sync_copy(rel_hbm.at[pl.ds(base * 36, 576)], rel_v)
        pltpu.sync_copy(q_hbm.at[pl.ds(base * 2, 32)], q_v)
        pltpu.sync_copy(pc_hbm, pc_v)
        lane = lax.broadcasted_iota(jnp.int32, (16,), 0)

        acc = jnp.zeros((16,), jnp.float32)
        for j in range(12):
            off = lane * 36 + (j * 3)
            a = plsc.load_gather(rel_v, [off])
            b = plsc.load_gather(rel_v, [off + 1])
            c = plsc.load_gather(rel_v, [off + 2])
            idx = a * 400 + b * 20 + c
            v = plsc.load_gather(probs_v, [idx])
            acc = acc + jnp.clip(v, 0.0, 1.0)
        gate = acc * jnp.float32(1.0 / 12.0)

        qa = plsc.load_gather(q_v, [lane * 2])
        qb = plsc.load_gather(q_v, [lane * 2 + 1])
        qv = jnp.clip(plsc.load_gather(probs_v, [qa * 20 + qb]), 0.0, 1.0)
        s_vec = gate * qv

        pc0 = pc_v[pl.ds(0, 16)]
        pc1 = pc_v[pl.ds(16, 16)]
        pad1 = lane + 16 >= 21
        neg = jnp.full((16,), -1e30, jnp.float32)
        for b in range(16):
            sb = s_vec[b]
            x0 = sb * pc0
            x1 = jnp.where(pad1, neg, sb * pc1)
            m = jnp.maximum(jnp.max(x0), jnp.max(x1))
            e0 = jnp.exp(x0 - m)
            e1 = jnp.exp(x1 - m)
            z = jnp.sum(e0) + jnp.sum(e1)
            r0 = e0 / z
            r1 = e1 / z
            tmp_v[pl.ds(0, 16)] = r0
            tmp_v[pl.ds(16, 16)] = r1
            out_v[pl.ds(21 * b, 16)] = r0
            out_v[pl.ds(21 * b + 5, 16)] = tmp_v[pl.ds(5, 16)]
        pltpu.sync_copy(out_v, out_hbm.at[pl.ds(base * 21, 336)])


@functools.lru_cache(maxsize=1)
def _make_sc_call():
    return pl.kernel(
        _sc_body,
        mesh=plsc.VectorSubcoreMesh(core_axis_name="c", subcore_axis_name="s",
                                    num_cores=1),
        compiler_params=pltpu.CompilerParams(needs_layout_passes=False),
        out_type=jax.ShapeDtypeStruct((2688,), jnp.float32),
        scratch_types=[
            pltpu.VMEM((8000,), jnp.float32),
            pltpu.VMEM((576,), jnp.int32),
            pltpu.VMEM((32,), jnp.int32),
            pltpu.VMEM((_PC_PAD,), jnp.float32),
            pltpu.VMEM((32,), jnp.float32),
            pltpu.VMEM((336,), jnp.float32),
        ],
    )


def kernel(transitivity_probs, relations, queries):
    pc = _pc_call(transitivity_probs.reshape(8, 1000))
    out = _make_sc_call()(transitivity_probs, relations.reshape(-1),
                          queries.reshape(-1), pc.reshape(_PC_PAD))
    return out.reshape(128, 21)

# --- scband reference (transcript-rebuilt; emitter-appended) ---
"""Pipeline reference for scband-clutrrmodel-46746424049889 (READ-ONLY COPY).

The authoritative reference and input builder live on the scoring server;
editing this copy changes nothing except your own understanding.
"""

import jax, jax.numpy as jnp
import numpy as np

SAMPLE_CT = 150
N_TRANS = 8000  # 20*20*20 possible transitive rules
N_REL = 21      # 20 relations + 'nothing'


def setup_inputs(seed: int = 0) -> dict:
    key = jax.random.key(seed)
    k1, k2, k3 = jax.random.split(key, 3)
    relations = jax.random.randint(k1, (128, 12, 3), 0, 20, dtype=jnp.int32)
    queries = jax.random.randint(k2, (128, 2), 0, 20, dtype=jnp.int32)
    # learned parameter (initialized uniformly in the torch module as ones/10;
    # use random uniform here to break top-k ties deterministically)
    transitivity_probs = jax.random.uniform(k3, (N_TRANS,), dtype=jnp.float32)
    return {"transitivity_probs": transitivity_probs, "relations": relations, "queries": queries}


def reference(transitivity_probs, relations, queries):
    # clamp learned rule probabilities to [0, 1]
    probs = jnp.clip(transitivity_probs, 0.0, 1.0)
    # eval-phase deterministic sampling: top-k over the 8000 transitive rules
    vals, idx = jax.lax.top_k(probs, SAMPLE_CT)
    # transitive rule i = (i//400, (i//20)%20, i%20); output relation = i % 20
    out_rel = idx % 20
    # aggregate sampled rule probabilities per output relation class
    per_class = jax.ops.segment_sum(vals, out_rel, num_segments=N_REL)
    # per-example gate derived from context facts (gather into the rule-prob table)
    ctx_idx = relations[..., 0] * 400 + relations[..., 1] * 20 + relations[..., 2]
    gate = jnp.mean(jnp.take(probs, ctx_idx, axis=0), axis=1)  # [B]
    qgate = jnp.take(probs, queries[:, 0] * 20 + queries[:, 1], axis=0)  # [B]
    result = (gate * qgate)[:, None] * per_class[None, :]  # [B, 21]
    # scallop_softmax=True path
    result = jax.nn.softmax(result, axis=1)
    result = jnp.clip(result, 0.0, 1.0)
    return result

if __name__ == "__main__":
    import jax
    _d = setup_inputs()
    print(jax.jit(kernel)(*tuple(_d.values())))

</pallas_src>

<mosaic_0001>
#map = affine_map<(d0, d1) -> (0)>
module attributes {stable_mosaic.version = 14 : i64} {
  func.func @_sc_body(%arg0: i32, %arg1: i32, %arg2: memref<8000xf32, #tpu.memory_space<hbm>>, %arg3: memref<4608xi32, #tpu.memory_space<hbm>>, %arg4: memref<256xi32, #tpu.memory_space<hbm>>, %arg5: memref<128xf32, #tpu.memory_space<hbm>>, %arg6: memref<2688xf32, #tpu.memory_space<hbm>>, %arg7: memref<8000xf32, #tpu.memory_space<vmem>>, %arg8: memref<576xi32, #tpu.memory_space<vmem>>, %arg9: memref<32xi32, #tpu.memory_space<vmem>>, %arg10: memref<128xf32, #tpu.memory_space<vmem>>, %arg11: memref<32xf32, #tpu.memory_space<vmem>>, %arg12: memref<336xf32, #tpu.memory_space<vmem>>) attributes {dimension_semantics = [#tpu.dimension_semantics<core_parallel>, #tpu.dimension_semantics<subcore_parallel>], iteration_bounds = array<i64: 1, 16>, scalar_prefetch = 0 : i64, scratch_operands = 6 : i64, tpu.core_type = #tpu.core_type<sc_vector_subcore>, window_params = [{transform_indices = #map}, {transform_indices = #map}, {transform_indices = #map}, {transform_indices = #map}, {transform_indices = #map}]} {
    %lt3A = arith.constant 8 : i32
    %lt3A_0 = arith.cmpi slt, %arg1, %lt3A : i32
    %convert_element_type3A = arith.extui %lt3A_0 : i1 to i32
    %cond3A = arith.constant 0 : i32
    %cond3A_1 = arith.cmpi ne, %convert_element_type3A, %cond3A : i32
    scf.if %cond3A_1 {
      %mul3A = arith.constant 16 : i32
      %mul3A_2 = arith.muli %arg1, %mul3A : i32
      "tpu.region"() ({
        %run_scoped3A = tpu.sem_alloc : memref<!tpu.dma_semaphore, #tpu.memory_space<semaphore_mem>>
        tpu.enqueue_dma source(%arg2 : memref<8000xf32, #tpu.memory_space<hbm>>) target(%arg7 : memref<8000xf32, #tpu.memory_space<vmem>>) target_semaphore(%run_scoped3A : memref<!tpu.dma_semaphore, #tpu.memory_space<semaphore_mem>>)
        tpu.wait_dma2 semaphore(%run_scoped3A : memref<!tpu.dma_semaphore, #tpu.memory_space<semaphore_mem>>) src(%arg2 : memref<8000xf32, #tpu.memory_space<hbm>>) dst(%arg7 : memref<8000xf32, #tpu.memory_space<vmem>>)
        tpu.yield
      }) : () -> ()
      %mul3A_3 = arith.constant 36 : i32
      %mul3A_4 = arith.muli %mul3A_2, %mul3A_3 : i32
      "tpu.region"() ({
        %run_scoped3A = tpu.sem_alloc : memref<!tpu.dma_semaphore, #tpu.memory_space<semaphore_mem>>
        %dma_start3A = tpu.memref_slice %arg3[%mul3A_4] : memref<4608xi32, #tpu.memory_space<hbm>> -> memref<576xi32, #tpu.memory_space<hbm>>
        %dma_start3A_1124 = tpu.memref_slice %arg3[%mul3A_4] : memref<4608xi32, #tpu.memory_space<hbm>> -> memref<576xi32, #tpu.memory_space<hbm>>
        tpu.enqueue_dma source(%dma_start3A_1124 : memref<576xi32, #tpu.memory_space<hbm>>) target(%arg8 : memref<576xi32, #tpu.memory_space<vmem>>) target_semaphore(%run_scoped3A : memref<!tpu.dma_semaphore, #tpu.memory_space<semaphore_mem>>)
        %dma_wait3A = tpu.memref_slice %arg3[%mul3A_4] : memref<4608xi32, #tpu.memory_space<hbm>> -> memref<576xi32, #tpu.memory_space<hbm>>
        %dma_wait3A_1125 = tpu.memref_slice %arg3[%mul3A_4] : memref<4608xi32, #tpu.memory_space<hbm>> -> memref<576xi32, #tpu.memory_space<hbm>>
        tpu.wait_dma2 semaphore(%run_scoped3A : memref<!tpu.dma_semaphore, #tpu.memory_space<semaphore_mem>>) src(%dma_wait3A_1125 : memref<576xi32, #tpu.memory_space<hbm>>) dst(%arg8 : memref<576xi32, #tpu.memory_space<vmem>>)
        tpu.yield
      }) : () -> ()
      %mul3A_5 = arith.constant 2 : i32
      %mul3A_6 = arith.muli %mul3A_2, %mul3A_5 : i32
      "tpu.region"() ({
        %run_scoped3A = tpu.sem_alloc : memref<!tpu.dma_semaphore, #tpu.memory_space<semaphore_mem>>
        %dma_start3A = tpu.memref_slice %arg4[%mul3A_6] : memref<256xi32, #tpu.memory_space<hbm>> -> memref<32xi32, #tpu.memory_space<hbm>>
        %dma_start3A_1124 = tpu.memref_slice %arg4[%mul3A_6] : memref<256xi32, #tpu.memory_space<hbm>> -> memref<32xi32, #tpu.memory_space<hbm>>
        tpu.enqueue_dma source(%dma_start3A_1124 : memref<32xi32, #tpu.memory_space<hbm>>) target(%arg9 : memref<32xi32, #tpu.memory_space<vmem>>) target_semaphore(%run_scoped3A : memref<!tpu.dma_semaphore, #tpu.memory_space<semaphore_mem>>)
        %dma_wait3A = tpu.memref_slice %arg4[%mul3A_6] : memref<256xi32, #tpu.memory_space<hbm>> -> memref<32xi32, #tpu.memory_space<hbm>>
        %dma_wait3A_1125 = tpu.memref_slice %arg4[%mul3A_6] : memref<256xi32, #tpu.memory_space<hbm>> -> memref<32xi32, #tpu.memory_space<hbm>>
        tpu.wait_dma2 semaphore(%run_scoped3A : memref<!tpu.dma_semaphore, #tpu.memory_space<semaphore_mem>>) src(%dma_wait3A_1125 : memref<32xi32, #tpu.memory_space<hbm>>) dst(%arg9 : memref<32xi32, #tpu.memory_space<vmem>>)
        tpu.yield
      }) : () -> ()
      "tpu.region"() ({
        %run_scoped3A = tpu.sem_alloc : memref<!tpu.dma_semaphore, #tpu.memory_space<semaphore_mem>>
        tpu.enqueue_dma source(%arg5 : memref<128xf32, #tpu.memory_space<hbm>>) target(%arg10 : memref<128xf32, #tpu.memory_space<vmem>>) target_semaphore(%run_scoped3A : memref<!tpu.dma_semaphore, #tpu.memory_space<semaphore_mem>>)
        tpu.wait_dma2 semaphore(%run_scoped3A : memref<!tpu.dma_semaphore, #tpu.memory_space<semaphore_mem>>) src(%arg5 : memref<128xf32, #tpu.memory_space<hbm>>) dst(%arg10 : memref<128xf32, #tpu.memory_space<vmem>>)
        tpu.yield
      }) : () -> ()
      %iota3A = tpu.iota {dimensions = array<i32: 0>} : vector<16xi32>
      %broadcast_in_dim3A = arith.constant 0.000000e+00 : f32
      %broadcast_in_dim3A_7 = vector.broadcast %broadcast_in_dim3A : f32 to vector<16xf32>
      %mul3A_8 = arith.constant 36 : i32
      %mul3A_9 = vector.broadcast %mul3A_8 : i32 to vector<16xi32>
      %mul3A_10 = arith.muli %iota3A, %mul3A_9 : vector<16xi32>
      %add3A = arith.constant 0 : i32
      %add3A_11 = vector.broadcast %add3A : i32 to vector<16xi32>
      %add3A_12 = arith.addi %mul3A_10, %add3A_11 : vector<16xi32>
      %gather3A = tpu.vector_load_idx %arg8[%add3A_12] : memref<576xi32, #tpu.memory_space<vmem>>[vector<16xi32>], vector<16xi32>,
      %add3A_13 = arith.constant 1 : i32
      %add3A_14 = vector.broadcast %add3A_13 : i32 to vector<16xi32>
      %add3A_15 = arith.addi %add3A_12, %add3A_14 : vector<16xi32>
      %gather3A_16 = tpu.vector_load_idx %arg8[%add3A_15] : memref<576xi32, #tpu.memory_space<vmem>>[vector<16xi32>], vector<16xi32>,
      %add3A_17 = arith.constant 2 : i32
      %add3A_18 = vector.broadcast %add3A_17 : i32 to vector<16xi32>
      %add3A_19 = arith.addi %add3A_12, %add3A_18 : vector<16xi32>
      %gather3A_20 = tpu.vector_load_idx %arg8[%add3A_19] : memref<576xi32, #tpu.memory_space<vmem>>[vector<16xi32>], vector<16xi32>,
      %mul3A_21 = arith.constant 400 : i32
      %mul3A_22 = vector.broadcast %mul3A_21 : i32 to vector<16xi32>
      %mul3A_23 = arith.muli %gather3A, %mul3A_22 : vector<16xi32>
      %mul3A_24 = arith.constant 20 : i32
      %mul3A_25 = vector.broadcast %mul3A_24 : i32 to vector<16xi32>
      %mul3A_26 = arith.muli %gather3A_16, %mul3A_25 : vector<16xi32>
      %add3A_27 = arith.addi %mul3A_23, %mul3A_26 : vector<16xi32>
      %add3A_28 = arith.addi %add3A_27, %gather3A_20 : vector<16xi32>
      %gather3A_29 = tpu.vector_load_idx %arg7[%add3A_28] : memref<8000xf32, #tpu.memory_space<vmem>>[vector<16xi32>], vector<16xf32>,
      %jit3A = arith.constant 0.000000e+00 : f32
      %jit3A_30 = arith.constant 1.000000e+00 : f32
      %max3A = vector.broadcast %jit3A : f32 to vector<16xf32>
      %max3A_31 = arith.maximumf %max3A, %gather3A_29 : vector<16xf32>
      %min3A = vector.broadcast %jit3A_30 : f32 to vector<16xf32>
      %min3A_32 = arith.minimumf %min3A, %max3A_31 : vector<16xf32>
      %add3A_33 = arith.addf %broadcast_in_dim3A_7, %min3A_32 : vector<16xf32>
      %mul3A_34 = arith.constant 36 : i32
      %mul3A_35 = vector.broadcast %mul3A_34 : i32 to vector<16xi32>
      %mul3A_36 = arith.muli %iota3A, %mul3A_35 : vector<16xi32>
      %add3A_37 = arith.constant 3 : i32
      %add3A_38 = vector.broadcast %add3A_37 : i32 to vector<16xi32>
      %add3A_39 = arith.addi %mul3A_36, %add3A_38 : vector<16xi32>
      %gather3A_40 = tpu.vector_load_idx %arg8[%add3A_39] : memref<576xi32, #tpu.memory_space<vmem>>[vector<16xi32>], vector<16xi32>,
      %add3A_41 = arith.constant 1 : i32
      %add3A_42 = vector.broadcast %add3A_41 : i32 to vector<16xi32>
      %add3A_43 = arith.addi %add3A_39, %add3A_42 : vector<16xi32>
      %gather3A_44 = tpu.vector_load_idx %arg8[%add3A_43] : memref<576xi32, #tpu.memory_space<vmem>>[vector<16xi32>], vector<16xi32>,
      %add3A_45 = arith.constant 2 : i32
      %add3A_46 = vector.broadcast %add3A_45 : i32 to vector<16xi32>
      %add3A_47 = arith.addi %add3A_39, %add3A_46 : vector<16xi32>
      %gather3A_48 = tpu.vector_load_idx %arg8[%add3A_47] : memref<576xi32, #tpu.memory_space<vmem>>[vector<16xi32>], vector<16xi32>,
      %mul3A_49 = arith.constant 400 : i32
      %mul3A_50 = vector.broadcast %mul3A_49 : i32 to vector<16xi32>
      %mul3A_51 = arith.muli %gather3A_40, %mul3A_50 : vector<16xi32>
      %mul3A_52 = arith.constant 20 : i32
      %mul3A_53 = vector.broadcast %mul3A_52 : i32 to vector<16xi32>
      %mul3A_54 = arith.muli %gather3A_44, %mul3A_53 : vector<16xi32>
      %add3A_55 = arith.addi %mul3A_51, %mul3A_54 : vector<16xi32>
      %add3A_56 = arith.addi %add3A_55, %gather3A_48 : vector<16xi32>
      %gather3A_57 = tpu.vector_load_idx %arg7[%add3A_56] : memref<8000xf32, #tpu.memory_space<vmem>>[vector<16xi32>], vector<16xf32>,
      %jit3A_58 = arith.constant 0.000000e+00 : f32
      %jit3A_59 = arith.constant 1.000000e+00 : f32
      %max3A_60 = vector.broadcast %jit3A_58 : f32 to vector<16xf32>
      %max3A_61 = arith.maximumf %max3A_60, %gather3A_57 : vector<16xf32>
      %min3A_62 = vector.broadcast %jit3A_59 : f32 to vector<16xf32>
      %min3A_63 = arith.minimumf %min3A_62, %max3A_61 : vector<16xf32>
      %add3A_64 = arith.addf %add3A_33, %min3A_63 : vector<16xf32>
      %mul3A_65 = arith.constant 36 : i32
      %mul3A_66 = vector.broadcast %mul3A_65 : i32 to vector<16xi32>
      %mul3A_67 = arith.muli %iota3A, %mul3A_66 : vector<16xi32>
      %add3A_68 = arith.constant 6 : i32
      %add3A_69 = vector.broadcast %add3A_68 : i32 to vector<16xi32>
      %add3A_70 = arith.addi %mul3A_67, %add3A_69 : vector<16xi32>
      %gather3A_71 = tpu.vector_load_idx %arg8[%add3A_70] : memref<576xi32, #tpu.memory_space<vmem>>[vector<16xi32>], vector<16xi32>,
      %add3A_72 = arith.constant 1 : i32
      %add3A_73 = vector.broadcast %add3A_72 : i32 to vector<16xi32>
      %add3A_74 = arith.addi %add3A_70, %add3A_73 : vector<16xi32>
      %gather3A_75 = tpu.vector_load_idx %arg8[%add3A_74] : memref<576xi32, #tpu.memory_space<vmem>>[vector<16xi32>], vector<16xi32>,
      %add3A_76 = arith.constant 2 : i32
      %add3A_77 = vector.broadcast %add3A_76 : i32 to vector<16xi32>
      %add3A_78 = arith.addi %add3A_70, %add3A_77 : vector<16xi32>
      %gather3A_79 = tpu.vector_load_idx %arg8[%add3A_78] : memref<576xi32, #tpu.memory_space<vmem>>[vector<16xi32>], vector<16xi32>,
      %mul3A_80 = arith.constant 400 : i32
      %mul3A_81 = vector.broadcast %mul3A_80 : i32 to vector<16xi32>
      %mul3A_82 = arith.muli %gather3A_71, %mul3A_81 : vector<16xi32>
      %mul3A_83 = arith.constant 20 : i32
      %mul3A_84 = vector.broadcast %mul3A_83 : i32 to vector<16xi32>
      %mul3A_85 = arith.muli %gather3A_75, %mul3A_84 : vector<16xi32>
      %add3A_86 = arith.addi %mul3A_82, %mul3A_85 : vector<16xi32>
      %add3A_87 = arith.addi %add3A_86, %gather3A_79 : vector<16xi32>
      %gather3A_88 = tpu.vector_load_idx %arg7[%add3A_87] : memref<8000xf32, #tpu.memory_space<vmem>>[vector<16xi32>], vector<16xf32>,
      %jit3A_89 = arith.constant 0.000000e+00 : f32
      %jit3A_90 = arith.constant 1.000000e+00 : f32
      %max3A_91 = vector.broadcast %jit3A_89 : f32 to vector<16xf32>
      %max3A_92 = arith.maximumf %max3A_91, %gather3A_88 : vector<16xf32>
      %min3A_93 = vector.broadcast %jit3A_90 : f32 to vector<16xf32>
      %min3A_94 = arith.minimumf %min3A_93, %max3A_92 : vector<16xf32>
      %add3A_95 = arith.addf %add3A_64, %min3A_94 : vector<16xf32>
      %mul3A_96 = arith.constant 36 : i32
      %mul3A_97 = vector.broadcast %mul3A_96 : i32 to vector<16xi32>
      %mul3A_98 = arith.muli %iota3A, %mul3A_97 : vector<16xi32>
      %add3A_99 = arith.constant 9 : i32
      %add3A_100 = vector.broadcast %add3A_99 : i32 to vector<16xi32>
      %add3A_101 = arith.addi %mul3A_98, %add3A_100 : vector<16xi32>
      %gather3A_102 = tpu.vector_load_idx %arg8[%add3A_101] : memref<576xi32, #tpu.memory_space<vmem>>[vector<16xi32>], vector<16xi32>,
      %add3A_103 = arith.constant 1 : i32
      %add3A_104 = vector.broadcast %add3A_103 : i32 to vector<16xi32>
      %add3A_105 = arith.addi %add3A_101, %add3A_104 : vector<16xi32>
      %gather3A_106 = tpu.vector_load_idx %arg8[%add3A_105] : memref<576xi32, #tpu.memory_space<vmem>>[vector<16xi32>], vector<16xi32>,
      %add3A_107 = arith.constant 2 : i32
      %add3A_108 = vector.broadcast %add3A_107 : i32 to vector<16xi32>
      %add3A_109 = arith.addi %add3A_101, %add3A_108 : vector<16xi32>
      %gather3A_110 = tpu.vector_load_idx %arg8[%add3A_109] : memref<576xi32, #tpu.memory_space<vmem>>[vector<16xi32>], vector<16xi32>,
      %mul3A_111 = arith.constant 400 : i32
      %mul3A_112 = vector.broadcast %mul3A_111 : i32 to vector<16xi32>
      %mul3A_113 = arith.muli %gather3A_102, %mul3A_112 : vector<16xi32>
      %mul3A_114 = arith.constant 20 : i32
      %mul3A_115 = vector.broadcast %mul3A_114 : i32 to vector<16xi32>
      %mul3A_116 = arith.muli %gather3A_106, %mul3A_115 : vector<16xi32>
      %add3A_117 = arith.addi %mul3A_113, %mul3A_116 : vector<16xi32>
      %add3A_118 = arith.addi %add3A_117, %gather3A_110 : vector<16xi32>
      %gather3A_119 = tpu.vector_load_idx %arg7[%add3A_118] : memref<8000xf32, #tpu.memory_space<vmem>>[vector<16xi32>], vector<16xf32>,
      %jit3A_120 = arith.constant 0.000000e+00 : f32
      %jit3A_121 = arith.constant 1.000000e+00 : f32
      %max3A_122 = vector.broadcast %jit3A_120 : f32 to vector<16xf32>
      %max3A_123 = arith.maximumf %max3A_122, %gather3A_119 : vector<16xf32>
      %min3A_124 = vector.broadcast %jit3A_121 : f32 to vector<16xf32>
      %min3A_125 = arith.minimumf %min3A_124, %max3A_123 : vector<16xf32>
      %add3A_126 = arith.addf %add3A_95, %min3A_125 : vector<16xf32>
      %mul3A_127 = arith.constant 36 : i32
      %mul3A_128 = vector.broadcast %mul3A_127 : i32 to vector<16xi32>
      %mul3A_129 = arith.muli %iota3A, %mul3A_128 : vector<16xi32>
      %add3A_130 = arith.constant 12 : i32
      %add3A_131 = vector.broadcast %add3A_130 : i32 to vector<16xi32>
      %add3A_132 = arith.addi %mul3A_129, %add3A_131 : vector<16xi32>
      %gather3A_133 = tpu.vector_load_idx %arg8[%add3A_132] : memref<576xi32, #tpu.memory_space<vmem>>[vector<16xi32>], vector<16xi32>,
      %add3A_134 = arith.constant 1 : i32
      %add3A_135 = vector.broadcast %add3A_134 : i32 to vector<16xi32>
      %add3A_136 = arith.addi %add3A_132, %add3A_135 : vector<16xi32>
      %gather3A_137 = tpu.vector_load_idx %arg8[%add3A_136] : memref<576xi32, #tpu.memory_space<vmem>>[vector<16xi32>], vector<16xi32>,
      %add3A_138 = arith.constant 2 : i32
      %add3A_139 = vector.broadcast %add3A_138 : i32 to vector<16xi32>
      %add3A_140 = arith.addi %add3A_132, %add3A_139 : vector<16xi32>
      %gather3A_141 = tpu.vector_load_idx %arg8[%add3A_140] : memref<576xi32, #tpu.memory_space<vmem>>[vector<16xi32>], vector<16xi32>,
      %mul3A_142 = arith.constant 400 : i32
      %mul3A_143 = vector.broadcast %mul3A_142 : i32 to vector<16xi32>
      %mul3A_144 = arith.muli %gather3A_133, %mul3A_143 : vector<16xi32>
      %mul3A_145 = arith.constant 20 : i32
      %mul3A_146 = vector.broadcast %mul3A_145 : i32 to vector<16xi32>
      %mul3A_147 = arith.muli %gather3A_137, %mul3A_146 : vector<16xi32>
      %add3A_148 = arith.addi %mul3A_144, %mul3A_147 : vector<16xi32>
      %add3A_149 = arith.addi %add3A_148, %gather3A_141 : vector<16xi32>
      %gather3A_150 = tpu.vector_load_idx %arg7[%add3A_149] : memref<8000xf32, #tpu.memory_space<vmem>>[vector<16xi32>], vector<16xf32>,
      %jit3A_151 = arith.constant 0.000000e+00 : f32
      %jit3A_152 = arith.constant 1.000000e+00 : f32
      %max3A_153 = vector.broadcast %jit3A_151 : f32 to vector<16xf32>
      %max3A_154 = arith.maximumf %max3A_153, %gather3A_150 : vector<16xf32>
      %min3A_155 = vector.broadcast %jit3A_152 : f32 to vector<16xf32>
      %min3A_156 = arith.minimumf %min3A_155, %max3A_154 : vector<16xf32>
      %add3A_157 = arith.addf %add3A_126, %min3A_156 : vector<16xf32>
      %mul3A_158 = arith.constant 36 : i32
      %mul3A_159 = vector.broadcast %mul3A_158 : i32 to vector<16xi32>
      %mul3A_160 = arith.muli %iota3A, %mul3A_159 : vector<16xi32>
      %add3A_161 = arith.constant 15 : i32
      %add3A_162 = vector.broadcast %add3A_161 : i32 to vector<16xi32>
      %add3A_163 = arith.addi %mul3A_160, %add3A_162 : vector<16xi32>
      %gather3A_164 = tpu.vector_load_idx %arg8[%add3A_163] : memref<576xi32, #tpu.memory_space<vmem>>[vector<16xi32>], vector<16xi32>,
      %add3A_165 = arith.constant 1 : i32
      %add3A_166 = vector.broadcast %add3A_165 : i32 to vector<16xi32>
      %add3A_167 = arith.addi %add3A_163, %add3A_166 : vector<16xi32>
      %gather3A_168 = tpu.vector_load_idx %arg8[%add3A_167] : memref<576xi32, #tpu.memory_space<vmem>>[vector<16xi32>], vector<16xi32>,
      %add3A_169 = arith.constant 2 : i32
      %add3A_170 = vector.broadcast %add3A_169 : i32 to vector<16xi32>
      %add3A_171 = arith.addi %add3A_163, %add3A_170 : vector<16xi32>
      %gather3A_172 = tpu.vector_load_idx %arg8[%add3A_171] : memref<576xi32, #tpu.memory_space<vmem>>[vector<16xi32>], vector<16xi32>,
      %mul3A_173 = arith.constant 400 : i32
      %mul3A_174 = vector.broadcast %mul3A_173 : i32 to vector<16xi32>
      %mul3A_175 = arith.muli %gather3A_164, %mul3A_174 : vector<16xi32>
      %mul3A_176 = arith.constant 20 : i32
      %mul3A_177 = vector.broadcast %mul3A_176 : i32 to vector<16xi32>
      %mul3A_178 = arith.muli %gather3A_168, %mul3A_177 : vector<16xi32>
      %add3A_179 = arith.addi %mul3A_175, %mul3A_178 : vector<16xi32>
      %add3A_180 = arith.addi %add3A_179, %gather3A_172 : vector<16xi32>
      %gather3A_181 = tpu.vector_load_idx %arg7[%add3A_180] : memref<8000xf32, #tpu.memory_space<vmem>>[vector<16xi32>], vector<16xf32>,
      %jit3A_182 = arith.constant 0.000000e+00 : f32
      %jit3A_183 = arith.constant 1.000000e+00 : f32
      %max3A_184 = vector.broadcast %jit3A_182 : f32 to vector<16xf32>
      %max3A_185 = arith.maximumf %max3A_184, %gather3A_181 : vector<16xf32>
      %min3A_186 = vector.broadcast %jit3A_183 : f32 to vector<16xf32>
      %min3A_187 = arith.minimumf %min3A_186, %max3A_185 : vector<16xf32>
      %add3A_188 = arith.addf %add3A_157, %min3A_187 : vector<16xf32>
      %mul3A_189 = arith.constant 36 : i32
      %mul3A_190 = vector.broadcast %mul3A_189 : i32 to vector<16xi32>
      %mul3A_191 = arith.muli %iota3A, %mul3A_190 : vector<16xi32>
      %add3A_192 = arith.constant 18 : i32
      %add3A_193 = vector.broadcast %add3A_192 : i32 to vector<16xi32>
      %add3A_194 = arith.addi %mul3A_191, %add3A_193 : vector<16xi32>
      %gather3A_195 = tpu.vector_load_idx %arg8[%add3A_194] : memref<576xi32, #tpu.memory_space<vmem>>[vector<16xi32>], vector<16xi32>,
      %add3A_196 = arith.constant 1 : i32
      %add3A_197 = vector.broadcast %add3A_196 : i32 to vector<16xi32>
      %add3A_198 = arith.addi %add3A_194, %add3A_197 : vector<16xi32>
      %gather3A_199 = tpu.vector_load_idx %arg8[%add3A_198] : memref<576xi32, #tpu.memory_space<vmem>>[vector<16xi32>], vector<16xi32>,
      %add3A_200 = arith.constant 2 : i32
      %add3A_201 = vector.broadcast %add3A_200 : i32 to vector<16xi32>
      %add3A_202 = arith.addi %add3A_194, %add3A_201 : vector<16xi32>
      %gather3A_203 = tpu.vector_load_idx %arg8[%add3A_202] : memref<576xi32, #tpu.memory_space<vmem>>[vector<16xi32>], vector<16xi32>,
      %mul3A_204 = arith.constant 400 : i32
      %mul3A_205 = vector.broadcast %mul3A_204 : i32 to vector<16xi32>
      %mul3A_206 = arith.muli %gather3A_195, %mul3A_205 : vector<16xi32>
      %mul3A_207 = arith.constant 20 : i32
      %mul3A_208 = vector.broadcast %mul3A_207 : i32 to vector<16xi32>
      %mul3A_209 = arith.muli %gather3A_199, %mul3A_208 : vector<16xi32>
      %add3A_210 = arith.addi %mul3A_206, %mul3A_209 : vector<16xi32>
      %add3A_211 = arith.addi %add3A_210, %gather3A_203 : vector<16xi32>
      %gather3A_212 = tpu.vector_load_idx %arg7[%add3A_211] : memref<8000xf32, #tpu.memory_space<vmem>>[vector<16xi32>], vector<16xf32>,
      %jit3A_213 = arith.constant 0.000000e+00 : f32
      %jit3A_214 = arith.constant 1.000000e+00 : f32
      %max3A_215 = vector.broadcast %jit3A_213 : f32 to vector<16xf32>
      %max3A_216 = arith.maximumf %max3A_215, %gather3A_212 : vector<16xf32>
      %min3A_217 = vector.broadcast %jit3A_214 : f32 to vector<16xf32>
      %min3A_218 = arith.minimumf %min3A_217, %max3A_216 : vector<16xf32>
      %add3A_219 = arith.addf %add3A_188, %min3A_218 : vector<16xf32>
      %mul3A_220 = arith.constant 36 : i32
      %mul3A_221 = vector.broadcast %mul3A_220 : i32 to vector<16xi32>
      %mul3A_222 = arith.muli %iota3A, %mul3A_221 : vector<16xi32>
      %add3A_223 = arith.constant 21 : i32
      %add3A_224 = vector.broadcast %add3A_223 : i32 to vector<16xi32>
      %add3A_225 = arith.addi %mul3A_222, %add3A_224 : vector<16xi32>
      %gather3A_226 = tpu.vector_load_idx %arg8[%add3A_225] : memref<576xi32, #tpu.memory_space<vmem>>[vector<16xi32>], vector<16xi32>,
      %add3A_227 = arith.constant 1 : i32
      %add3A_228 = vector.broadcast %add3A_227 : i32 to vector<16xi32>
      %add3A_229 = arith.addi %add3A_225, %add3A_228 : vector<16xi32>
      %gather3A_230 = tpu.vector_load_idx %arg8[%add3A_229] : memref<576xi32, #tpu.memory_space<vmem>>[vector<16xi32>], vector<16xi32>,
      %add3A_231 = arith.constant 2 : i32
      %add3A_232 = vector.broadcast %add3A_231 : i32 to vector<16xi32>
      %add3A_233 = arith.addi %add3A_225, %add3A_232 : vector<16xi32>
      %gather3A_234 = tpu.vector_load_idx %arg8[%add3A_233] : memref<576xi32, #tpu.memory_space<vmem>>[vector<16xi32>], vector<16xi32>,
      %mul3A_235 = arith.constant 400 : i32
      %mul3A_236 = vector.broadcast %mul3A_235 : i32 to vector<16xi32>
      %mul3A_237 = arith.muli %gather3A_226, %mul3A_236 : vector<16xi32>
      %mul3A_238 = arith.constant 20 : i32
      %mul3A_239 = vector.broadcast %mul3A_238 : i32 to vector<16xi32>
      %mul3A_240 = arith.muli %gather3A_230, %mul3A_239 : vector<16xi32>
      %add3A_241 = arith.addi %mul3A_237, %mul3A_240 : vector<16xi32>
      %add3A_242 = arith.addi %add3A_241, %gather3A_234 : vector<16xi32>
      %gather3A_243 = tpu.vector_load_idx %arg7[%add3A_242] : memref<8000xf32, #tpu.memory_space<vmem>>[vector<16xi32>], vector<16xf32>,
      %jit3A_244 = arith.constant 0.000000e+00 : f32
      %jit3A_245 = arith.constant 1.000000e+00 : f32
      %max3A_246 = vector.broadcast %jit3A_244 : f32 to vector<16xf32>
      %max3A_247 = arith.maximumf %max3A_246, %gather3A_243 : vector<16xf32>
      %min3A_248 = vector.broadcast %jit3A_245 : f32 to vector<16xf32>
      %min3A_249 = arith.minimumf %min3A_248, %max3A_247 : vector<16xf32>
      %add3A_250 = arith.addf %add3A_219, %min3A_249 : vector<16xf32>
      %mul3A_251 = arith.constant 36 : i32
      %mul3A_252 = vector.broadcast %mul3A_251 : i32 to vector<16xi32>
      %mul3A_253 = arith.muli %iota3A, %mul3A_252 : vector<16xi32>
      %add3A_254 = arith.constant 24 : i32
      %add3A_255 = vector.broadcast %add3A_254 : i32 to vector<16xi32>
      %add3A_256 = arith.addi %mul3A_253, %add3A_255 : vector<16xi32>
      %gather3A_257 = tpu.vector_load_idx %arg8[%add3A_256] : memref<576xi32, #tpu.memory_space<vmem>>[vector<16xi32>], vector<16xi32>,
      %add3A_258 = arith.constant 1 : i32
      %add3A_259 = vector.broadcast %add3A_258 : i32 to vector<16xi32>
      %add3A_260 = arith.addi %add3A_256, %add3A_259 : vector<16xi32>
      %gather3A_261 = tpu.vector_load_idx %arg8[%add3A_260] : memref<576xi32, #tpu.memory_space<vmem>>[vector<16xi32>], vector<16xi32>,
      %add3A_262 = arith.constant 2 : i32
      %add3A_263 = vector.broadcast %add3A_262 : i32 to vector<16xi32>
      %add3A_264 = arith.addi %add3A_256, %add3A_263 : vector<16xi32>
      %gather3A_265 = tpu.vector_load_idx %arg8[%add3A_264] : memref<576xi32, #tpu.memory_space<vmem>>[vector<16xi32>], vector<16xi32>,
      %mul3A_266 = arith.constant 400 : i32
      %mul3A_267 = vector.broadcast %mul3A_266 : i32 to vector<16xi32>
      %mul3A_268 = arith.muli %gather3A_257, %mul3A_267 : vector<16xi32>
      %mul3A_269 = arith.constant 20 : i32
      %mul3A_270 = vector.broadcast %mul3A_269 : i32 to vector<16xi32>
      %mul3A_271 = arith.muli %gather3A_261, %mul3A_270 : vector<16xi32>
      %add3A_272 = arith.addi %mul3A_268, %mul3A_271 : vector<16xi32>
      %add3A_273 = arith.addi %add3A_272, %gather3A_265 : vector<16xi32>
      %gather3A_274 = tpu.vector_load_idx %arg7[%add3A_273] : memref<8000xf32, #tpu.memory_space<vmem>>[vector<16xi32>], vector<16xf32>,
      %jit3A_275 = arith.constant 0.000000e+00 : f32
      %jit3A_276 = arith.constant 1.000000e+00 : f32
      %max3A_277 = vector.broadcast %jit3A_275 : f32 to vector<16xf32>
      %max3A_278 = arith.maximumf %max3A_277, %gather3A_274 : vector<16xf32>
      %min3A_279 = vector.broadcast %jit3A_276 : f32 to vector<16xf32>
      %min3A_280 = arith.minimumf %min3A_279, %max3A_278 : vector<16xf32>
      %add3A_281 = arith.addf %add3A_250, %min3A_280 : vector<16xf32>
      %mul3A_282 = arith.constant 36 : i32
      %mul3A_283 = vector.broadcast %mul3A_282 : i32 to vector<16xi32>
      %mul3A_284 = arith.muli %iota3A, %mul3A_283 : vector<16xi32>
      %add3A_285 = arith.constant 27 : i32
      %add3A_286 = vector.broadcast %add3A_285 : i32 to vector<16xi32>
      %add3A_287 = arith.addi %mul3A_284, %add3A_286 : vector<16xi32>
      %gather3A_288 = tpu.vector_load_idx %arg8[%add3A_287] : memref<576xi32, #tpu.memory_space<vmem>>[vector<16xi32>], vector<16xi32>,
      %add3A_289 = arith.constant 1 : i32
      %add3A_290 = vector.broadcast %add3A_289 : i32 to vector<16xi32>
      %add3A_291 = arith.addi %add3A_287, %add3A_290 : vector<16xi32>
      %gather3A_292 = tpu.vector_load_idx %arg8[%add3A_291] : memref<576xi32, #tpu.memory_space<vmem>>[vector<16xi32>], vector<16xi32>,
      %add3A_293 = arith.constant 2 : i32
      %add3A_294 = vector.broadcast %add3A_293 : i32 to vector<16xi32>
      %add3A_295 = arith.addi %add3A_287, %add3A_294 : vector<16xi32>
      %gather3A_296 = tpu.vector_load_idx %arg8[%add3A_295] : memref<576xi32, #tpu.memory_space<vmem>>[vector<16xi32>], vector<16xi32>,
      %mul3A_297 = arith.constant 400 : i32
      %mul3A_298 = vector.broadcast %mul3A_297 : i32 to vector<16xi32>
      %mul3A_299 = arith.muli %gather3A_288, %mul3A_298 : vector<16xi32>
      %mul3A_300 = arith.constant 20 : i32
      %mul3A_301 = vector.broadcast %mul3A_300 : i32 to vector<16xi32>
      %mul3A_302 = arith.muli %gather3A_292, %mul3A_301 : vector<16xi32>
      %add3A_303 = arith.addi %mul3A_299, %mul3A_302 : vector<16xi32>
      %add3A_304 = arith.addi %add3A_303, %gather3A_296 : vector<16xi32>
      %gather3A_305 = tpu.vector_load_idx %arg7[%add3A_304] : memref<8000xf32, #tpu.memory_space<vmem>>[vector<16xi32>], vector<16xf32>,
      %jit3A_306 = arith.constant 0.000000e+00 : f32
      %jit3A_307 = arith.constant 1.000000e+00 : f32
      %max3A_308 = vector.broadcast %jit3A_306 : f32 to vector<16xf32>
      %max3A_309 = arith.maximumf %max3A_308, %gather3A_305 : vector<16xf32>
      %min3A_310 = vector.broadcast %jit3A_307 : f32 to vector<16xf32>
      %min3A_311 = arith.minimumf %min3A_310, %max3A_309 : vector<16xf32>
      %add3A_312 = arith.addf %add3A_281, %min3A_311 : vector<16xf32>
      %mul3A_313 = arith.constant 36 : i32
      %mul3A_314 = vector.broadcast %mul3A_313 : i32 to vector<16xi32>
      %mul3A_315 = arith.muli %iota3A, %mul3A_314 : vector<16xi32>
      %add3A_316 = arith.constant 30 : i32
      %add3A_317 = vector.broadcast %add3A_316 : i32 to vector<16xi32>
      %add3A_318 = arith.addi %mul3A_315, %add3A_317 : vector<16xi32>
      %gather3A_319 = tpu.vector_load_idx %arg8[%add3A_318] : memref<576xi32, #tpu.memory_space<vmem>>[vector<16xi32>], vector<16xi32>,
      %add3A_320 = arith.constant 1 : i32
      %add3A_321 = vector.broadcast %add3A_320 : i32 to vector<16xi32>
      %add3A_322 = arith.addi %add3A_318, %add3A_321 : vector<16xi32>
      %gather3A_323 = tpu.vector_load_idx %arg8[%add3A_322] : memref<576xi32, #tpu.memory_space<vmem>>[vector<16xi32>], vector<16xi32>,
      %add3A_324 = arith.constant 2 : i32
      %add3A_325 = vector.broadcast %add3A_324 : i32 to vector<16xi32>
      %add3A_326 = arith.addi %add3A_318, %add3A_325 : vector<16xi32>
      %gather3A_327 = tpu.vector_load_idx %arg8[%add3A_326] : memref<576xi32, #tpu.memory_space<vmem>>[vector<16xi32>], vector<16xi32>,
      %mul3A_328 = arith.constant 400 : i32
      %mul3A_329 = vector.broadcast %mul3A_328 : i32 to vector<16xi32>
      %mul3A_330 = arith.muli %gather3A_319, %mul3A_329 : vector<16xi32>
      %mul3A_331 = arith.constant 20 : i32
      %mul3A_332 = vector.broadcast %mul3A_331 : i32 to vector<16xi32>
      %mul3A_333 = arith.muli %gather3A_323, %mul3A_332 : vector<16xi32>
      %add3A_334 = arith.addi %mul3A_330, %mul3A_333 : vector<16xi32>
      %add3A_335 = arith.addi %add3A_334, %gather3A_327 : vector<16xi32>
      %gather3A_336 = tpu.vector_load_idx %arg7[%add3A_335] : memref<8000xf32, #tpu.memory_space<vmem>>[vector<16xi32>], vector<16xf32>,
      %jit3A_337 = arith.constant 0.000000e+00 : f32
      %jit3A_338 = arith.constant 1.000000e+00 : f32
      %max3A_339 = vector.broadcast %jit3A_337 : f32 to vector<16xf32>
      %max3A_340 = arith.maximumf %max3A_339, %gather3A_336 : vector<16xf32>
      %min3A_341 = vector.broadcast %jit3A_338 : f32 to vector<16xf32>
      %min3A_342 = arith.minimumf %min3A_341, %max3A_340 : vector<16xf32>
      %add3A_343 = arith.addf %add3A_312, %min3A_342 : vector<16xf32>
      %mul3A_344 = arith.constant 36 : i32
      %mul3A_345 = vector.broadcast %mul3A_344 : i32 to vector<16xi32>
      %mul3A_346 = arith.muli %iota3A, %mul3A_345 : vector<16xi32>
      %add3A_347 = arith.constant 33 : i32
      %add3A_348 = vector.broadcast %add3A_347 : i32 to vector<16xi32>
      %add3A_349 = arith.addi %mul3A_346, %add3A_348 : vector<16xi32>
      %gather3A_350 = tpu.vector_load_idx %arg8[%add3A_349] : memref<576xi32, #tpu.memory_space<vmem>>[vector<16xi32>], vector<16xi32>,
      %add3A_351 = arith.constant 1 : i32
      %add3A_352 = vector.broadcast %add3A_351 : i32 to vector<16xi32>
      %add3A_353 = arith.addi %add3A_349, %add3A_352 : vector<16xi32>
      %gather3A_354 = tpu.vector_load_idx %arg8[%add3A_353] : memref<576xi32, #tpu.memory_space<vmem>>[vector<16xi32>], vector<16xi32>,
      %add3A_355 = arith.constant 2 : i32
      %add3A_356 = vector.broadcast %add3A_355 : i32 to vector<16xi32>
      %add3A_357 = arith.addi %add3A_349, %add3A_356 : vector<16xi32>
      %gather3A_358 = tpu.vector_load_idx %arg8[%add3A_357] : memref<576xi32, #tpu.memory_space<vmem>>[vector<16xi32>], vector<16xi32>,
      %mul3A_359 = arith.constant 400 : i32
      %mul3A_360 = vector.broadcast %mul3A_359 : i32 to vector<16xi32>
      %mul3A_361 = arith.muli %gather3A_350, %mul3A_360 : vector<16xi32>
      %mul3A_362 = arith.constant 20 : i32
      %mul3A_363 = vector.broadcast %mul3A_362 : i32 to vector<16xi32>
      %mul3A_364 = arith.muli %gather3A_354, %mul3A_363 : vector<16xi32>
      %add3A_365 = arith.addi %mul3A_361, %mul3A_364 : vector<16xi32>
      %add3A_366 = arith.addi %add3A_365, %gather3A_358 : vector<16xi32>
      %gather3A_367 = tpu.vector_load_idx %arg7[%add3A_366] : memref<8000xf32, #tpu.memory_space<vmem>>[vector<16xi32>], vector<16xf32>,
      %jit3A_368 = arith.constant 0.000000e+00 : f32
      %jit3A_369 = arith.constant 1.000000e+00 : f32
      %max3A_370 = vector.broadcast %jit3A_368 : f32 to vector<16xf32>
      %max3A_371 = arith.maximumf %max3A_370, %gather3A_367 : vector<16xf32>
      %min3A_372 = vector.broadcast %jit3A_369 : f32 to vector<16xf32>
      %min3A_373 = arith.minimumf %min3A_372, %max3A_371 : vector<16xf32>
      %add3A_374 = arith.addf %add3A_343, %min3A_373 : vector<16xf32>
      %mul3A_375 = arith.constant 0.0833333358 : f32
      %mul3A_376 = vector.broadcast %mul3A_375 : f32 to vector<16xf32>
      %mul3A_377 = arith.mulf %add3A_374, %mul3A_376 : vector<16xf32>
      %mul3A_378 = arith.constant 2 : i32
      %mul3A_379 = vector.broadcast %mul3A_378 : i32 to vector<16xi32>
      %mul3A_380 = arith.muli %iota3A, %mul3A_379 : vector<16xi32>
      %gather3A_381 = tpu.vector_load_idx %arg9[%mul3A_380] : memref<32xi32, #tpu.memory_space<vmem>>[vector<16xi32>], vector<16xi32>,
      %mul3A_382 = arith.constant 2 : i32
      %mul3A_383 = vector.broadcast %mul3A_382 : i32 to vector<16xi32>
      %mul3A_384 = arith.muli %iota3A, %mul3A_383 : vector<16xi32>
      %add3A_385 = arith.constant 1 : i32
      %add3A_386 = vector.broadcast %add3A_385 : i32 to vector<16xi32>
      %add3A_387 = arith.addi %mul3A_384, %add3A_386 : vector<16xi32>
      %gather3A_388 = tpu.vector_load_idx %arg9[%add3A_387] : memref<32xi32, #tpu.memory_space<vmem>>[vector<16xi32>], vector<16xi32>,
      %mul3A_389 = arith.constant 20 : i32
      %mul3A_390 = vector.broadcast %mul3A_389 : i32 to vector<16xi32>
      %mul3A_391 = arith.muli %gather3A_381, %mul3A_390 : vector<16xi32>
      %add3A_392 = arith.addi %mul3A_391, %gather3A_388 : vector<16xi32>
      %gather3A_393 = tpu.vector_load_idx %arg7[%add3A_392] : memref<8000xf32, #tpu.memory_space<vmem>>[vector<16xi32>], vector<16xf32>,
      %jit3A_394 = arith.constant 0.000000e+00 : f32
      %jit3A_395 = arith.constant 1.000000e+00 : f32
      %max3A_396 = vector.broadcast %jit3A_394 : f32 to vector<16xf32>
      %max3A_397 = arith.maximumf %max3A_396, %gather3A_393 : vector<16xf32>
      %min3A_398 = vector.broadcast %jit3A_395 : f32 to vector<16xf32>
      %min3A_399 = arith.minimumf %min3A_398, %max3A_397 : vector<16xf32>
      %mul3A_400 = arith.mulf %mul3A_377, %min3A_399 : vector<16xf32>
      %get3A = arith.constant 0 : index
      %get3A_401 = tpu.vector_load %arg10[%get3A] {strides = array<i32>} : memref<128xf32, #tpu.memory_space<vmem>>, vector<16xf32>,
      %get3A_402 = arith.constant 16 : index
      %get3A_403 = tpu.vector_load %arg10[%get3A_402] {strides = array<i32>} : memref<128xf32, #tpu.memory_space<vmem>>, vector<16xf32>,
      %add3A_404 = arith.constant 16 : i32
      %add3A_405 = vector.broadcast %add3A_404 : i32 to vector<16xi32>
      %add3A_406 = arith.addi %iota3A, %add3A_405 : vector<16xi32>
      %ge3A = arith.constant 21 : i32
      %ge3A_407 = vector.broadcast %ge3A : i32 to vector<16xi32>
      %ge3A_408 = arith.cmpi sge, %add3A_406, %ge3A_407 : vector<16xi32>
      %broadcast_in_dim3A_409 = arith.constant -1.000000e+30 : f32
      %broadcast_in_dim3A_410 = vector.broadcast %broadcast_in_dim3A_409 : f32 to vector<16xf32>
      %slice3A = vector.extract_strided_slice %mul3A_400 {offsets = [0], sizes = [1], strides = [1]} : vector<16xf32> to vector<1xf32>
      %squeeze3A = vector.extract %slice3A[0] : f32 from vector<1xf32>
      %mul3A_411 = vector.broadcast %squeeze3A : f32 to vector<16xf32>
      %mul3A_412 = arith.mulf %mul3A_411, %get3A_401 : vector<16xf32>
      %mul3A_413 = vector.broadcast %squeeze3A : f32 to vector<16xf32>
      %mul3A_414 = arith.mulf %mul3A_413, %get3A_403 : vector<16xf32>
      %select_n3A = arith.select %ge3A_408, %broadcast_in_dim3A_410, %mul3A_414 : vector<16xi1>, vector<16xf32>
      %reduce_max3A = arith.constant true
      %reduce_max3A_415 = vector.broadcast %reduce_max3A : i1 to vector<16xi1>
      %reduce_max3A_416 = tpu.scan <max>, %mul3A_412 masked %reduce_max3A_415 : vector<16xf32>, vector<16xi1> -> vector<16xf32>
      %reduce_max3A_417 = vector.extract %reduce_max3A_416[15] : f32 from vector<16xf32>
      %reduce_max3A_418 = arith.constant true
      %reduce_max3A_419 = vector.broadcast %reduce_max3A_418 : i1 to vector<16xi1>
      %reduce_max3A_420 = tpu.scan <max>, %select_n3A masked %reduce_max3A_419 : vector<16xf32>, vector<16xi1> -> vector<16xf32>
      %reduce_max3A_421 = vector.extract %reduce_max3A_420[15] : f32 from vector<16xf32>
      %max3A_422 = arith.maximumf %reduce_max3A_417, %reduce_max3A_421 : f32
      %sub3A = vector.broadcast %max3A_422 : f32 to vector<16xf32>
      %sub3A_423 = arith.subf %mul3A_412, %sub3A : vector<16xf32>
      %exp3A = math.exp %sub3A_423 : vector<16xf32>
      %sub3A_424 = vector.broadcast %max3A_422 : f32 to vector<16xf32>
      %sub3A_425 = arith.subf %select_n3A, %sub3A_424 : vector<16xf32>
      %exp3A_426 = math.exp %sub3A_425 : vector<16xf32>
      %reduce_sum3A = arith.constant true
      %reduce_sum3A_427 = vector.broadcast %reduce_sum3A : i1 to vector<16xi1>
      %reduce_sum3A_428 = tpu.scan <sum>, %exp3A masked %reduce_sum3A_427 : vector<16xf32>, vector<16xi1> -> vector<16xf32>
      %reduce_sum3A_429 = vector.extract %reduce_sum3A_428[15] : f32 from vector<16xf32>
      %reduce_sum3A_430 = arith.constant true
      %reduce_sum3A_431 = vector.broadcast %reduce_sum3A_430 : i1 to vector<16xi1>
      %reduce_sum3A_432 = tpu.scan <sum>, %exp3A_426 masked %reduce_sum3A_431 : vector<16xf32>, vector<16xi1> -> vector<16xf32>
      %reduce_sum3A_433 = vector.extract %reduce_sum3A_432[15] : f32 from vector<16xf32>
      %add3A_434 = arith.addf %reduce_sum3A_429, %reduce_sum3A_433 : f32
      %div3A = vector.broadcast %add3A_434 : f32 to vector<16xf32>
      %div3A_435 = arith.divf %exp3A, %div3A : vector<16xf32>
      %div3A_436 = vector.broadcast %add3A_434 : f32 to vector<16xf32>
      %div3A_437 = arith.divf %exp3A_426, %div3A_436 : vector<16xf32>
      %swap3A = arith.constant 0 : index
      %swap3A_438 = tpu.vector_load %arg11[%swap3A] {strides = array<i32>} : memref<32xf32, #tpu.memory_space<vmem>>, vector<16xf32>,
      tpu.vector_store %arg11[%swap3A], %div3A_435 {strides = array<i32>} : memref<32xf32, #tpu.memory_space<vmem>>, vector<16xf32>,
      %swap3A_439 = arith.constant 16 : index
      %swap3A_440 = tpu.vector_load %arg11[%swap3A_439] {strides = array<i32>} : memref<32xf32, #tpu.memory_space<vmem>>, vector<16xf32>,
      tpu.vector_store %arg11[%swap3A_439], %div3A_437 {strides = array<i32>} : memref<32xf32, #tpu.memory_space<vmem>>, vector<16xf32>,
      %swap3A_441 = arith.constant 0 : index
      %swap3A_442 = tpu.vector_load %arg12[%swap3A_441] {strides = array<i32>} : memref<336xf32, #tpu.memory_space<vmem>>, vector<16xf32>,
      tpu.vector_store %arg12[%swap3A_441], %div3A_435 {strides = array<i32>} : memref<336xf32, #tpu.memory_space<vmem>>, vector<16xf32>,
      %get3A_443 = arith.constant 5 : index
      %get3A_444 = tpu.vector_load %arg11[%get3A_443] {strides = array<i32>} : memref<32xf32, #tpu.memory_space<vmem>>, vector<16xf32>,
      %swap3A_445 = arith.constant 5 : index
      %swap3A_446 = tpu.vector_load %arg12[%swap3A_445] {strides = array<i32>} : memref<336xf32, #tpu.memory_space<vmem>>, vector<16xf32>,
      tpu.vector_store %arg12[%swap3A_445], %get3A_444 {strides = array<i32>} : memref<336xf32, #tpu.memory_space<vmem>>, vector<16xf32>,
      %slice3A_447 = vector.extract_strided_slice %mul3A_400 {offsets = [1], sizes = [1], strides = [1]} : vector<16xf32> to vector<1xf32>
      %squeeze3A_448 = vector.extract %slice3A_447[0] : f32 from vector<1xf32>
      %mul3A_449 = vector.broadcast %squeeze3A_448 : f32 to vector<16xf32>
      %mul3A_450 = arith.mulf %mul3A_449, %get3A_401 : vector<16xf32>
      %mul3A_451 = vector.broadcast %squeeze3A_448 : f32 to vector<16xf32>
      %mul3A_452 = arith.mulf %mul3A_451, %get3A_403 : vector<16xf32>
      %select_n3A_453 = arith.select %ge3A_408, %broadcast_in_dim3A_410, %mul3A_452 : vector<16xi1>, vector<16xf32>
      %reduce_max3A_454 = arith.constant true
      %reduce_max3A_455 = vector.broadcast %reduce_max3A_454 : i1 to vector<16xi1>
      %reduce_max3A_456 = tpu.scan <max>, %mul3A_450 masked %reduce_max3A_455 : vector<16xf32>, vector<16xi1> -> vector<16xf32>
      %reduce_max3A_457 = vector.extract %reduce_max3A_456[15] : f32 from vector<16xf32>
      %reduce_max3A_458 = arith.constant true
      %reduce_max3A_459 = vector.broadcast %reduce_max3A_458 : i1 to vector<16xi1>
      %reduce_max3A_460 = tpu.scan <max>, %select_n3A_453 masked %reduce_max3A_459 : vector<16xf32>, vector<16xi1> -> vector<16xf32>
      %reduce_max3A_461 = vector.extract %reduce_max3A_460[15] : f32 from vector<16xf32>
      %max3A_462 = arith.maximumf %reduce_max3A_457, %reduce_max3A_461 : f32
      %sub3A_463 = vector.broadcast %max3A_462 : f32 to vector<16xf32>
      %sub3A_464 = arith.subf %mul3A_450, %sub3A_463 : vector<16xf32>
      %exp3A_465 = math.exp %sub3A_464 : vector<16xf32>
      %sub3A_466 = vector.broadcast %max3A_462 : f32 to vector<16xf32>
      %sub3A_467 = arith.subf %select_n3A_453, %sub3A_466 : vector<16xf32>
      %exp3A_468 = math.exp %sub3A_467 : vector<16xf32>
      %reduce_sum3A_469 = arith.constant true
      %reduce_sum3A_470 = vector.broadcast %reduce_sum3A_469 : i1 to vector<16xi1>
      %reduce_sum3A_471 = tpu.scan <sum>, %exp3A_465 masked %reduce_sum3A_470 : vector<16xf32>, vector<16xi1> -> vector<16xf32>
      %reduce_sum3A_472 = vector.extract %reduce_sum3A_471[15] : f32 from vector<16xf32>
      %reduce_sum3A_473 = arith.constant true
      %reduce_sum3A_474 = vector.broadcast %reduce_sum3A_473 : i1 to vector<16xi1>
      %reduce_sum3A_475 = tpu.scan <sum>, %exp3A_468 masked %reduce_sum3A_474 : vector<16xf32>, vector<16xi1> -> vector<16xf32>
      %reduce_sum3A_476 = vector.extract %reduce_sum3A_475[15] : f32 from vector<16xf32>
      %add3A_477 = arith.addf %reduce_sum3A_472, %reduce_sum3A_476 : f32
      %div3A_478 = vector.broadcast %add3A_477 : f32 to vector<16xf32>
      %div3A_479 = arith.divf %exp3A_465, %div3A_478 : vector<16xf32>
      %div3A_480 = vector.broadcast %add3A_477 : f32 to vector<16xf32>
      %div3A_481 = arith.divf %exp3A_468, %div3A_480 : vector<16xf32>
      %swap3A_482 = arith.constant 0 : index
      %swap3A_483 = tpu.vector_load %arg11[%swap3A_482] {strides = array<i32>} : memref<32xf32, #tpu.memory_space<vmem>>, vector<16xf32>,
      tpu.vector_store %arg11[%swap3A_482], %div3A_479 {strides = array<i32>} : memref<32xf32, #tpu.memory_space<vmem>>, vector<16xf32>,
      %swap3A_484 = arith.constant 16 : index
      %swap3A_485 = tpu.vector_load %arg11[%swap3A_484] {strides = array<i32>} : memref<32xf32, #tpu.memory_space<vmem>>, vector<16xf32>,
      tpu.vector_store %arg11[%swap3A_484], %div3A_481 {strides = array<i32>} : memref<32xf32, #tpu.memory_space<vmem>>, vector<16xf32>,
      %swap3A_486 = arith.constant 21 : index
      %swap3A_487 = tpu.vector_load %arg12[%swap3A_486] {strides = array<i32>} : memref<336xf32, #tpu.memory_space<vmem>>, vector<16xf32>,
      tpu.vector_store %arg12[%swap3A_486], %div3A_479 {strides = array<i32>} : memref<336xf32, #tpu.memory_space<vmem>>, vector<16xf32>,
      %get3A_488 = arith.constant 5 : index
      %get3A_489 = tpu.vector_load %arg11[%get3A_488] {strides = array<i32>} : memref<32xf32, #tpu.memory_space<vmem>>, vector<16xf32>,
      %swap3A_490 = arith.constant 26 : index
      %swap3A_491 = tpu.vector_load %arg12[%swap3A_490] {strides = array<i32>} : memref<336xf32, #tpu.memory_space<vmem>>, vector<16xf32>,
      tpu.vector_store %arg12[%swap3A_490], %get3A_489 {strides = array<i32>} : memref<336xf32, #tpu.memory_space<vmem>>, vector<16xf32>,
      %slice3A_492 = vector.extract_strided_slice %mul3A_400 {offsets = [2], sizes = [1], strides = [1]} : vector<16xf32> to vector<1xf32>
      %squeeze3A_493 = vector.extract %slice3A_492[0] : f32 from vector<1xf32>
      %mul3A_494 = vector.broadcast %squeeze3A_493 : f32 to vector<16xf32>
      %mul3A_495 = arith.mulf %mul3A_494, %get3A_401 : vector<16xf32>
      %mul3A_496 = vector.broadcast %squeeze3A_493 : f32 to vector<16xf32>
      %mul3A_497 = arith.mulf %mul3A_496, %get3A_403 : vector<16xf32>
      %select_n3A_498 = arith.select %ge3A_408, %broadcast_in_dim3A_410, %mul3A_497 : vector<16xi1>, vector<16xf32>
      %reduce_max3A_499 = arith.constant true
      %reduce_max3A_500 = vector.broadcast %reduce_max3A_499 : i1 to vector<16xi1>
      %reduce_max3A_501 = tpu.scan <max>, %mul3A_495 masked %reduce_max3A_500 : vector<16xf32>, vector<16xi1> -> vector<16xf32>
      %reduce_max3A_502 = vector.extract %reduce_max3A_501[15] : f32 from vector<16xf32>
      %reduce_max3A_503 = arith.constant true
      %reduce_max3A_504 = vector.broadcast %reduce_max3A_503 : i1 to vector<16xi1>
      %reduce_max3A_505 = tpu.scan <max>, %select_n3A_498 masked %reduce_max3A_504 : vector<16xf32>, vector<16xi1> -> vector<16xf32>
      %reduce_max3A_506 = vector.extract %reduce_max3A_505[15] : f32 from vector<16xf32>
      %max3A_507 = arith.maximumf %reduce_max3A_502, %reduce_max3A_506 : f32
      %sub3A_508 = vector.broadcast %max3A_507 : f32 to vector<16xf32>
      %sub3A_509 = arith.subf %mul3A_495, %sub3A_508 : vector<16xf32>
      %exp3A_510 = math.exp %sub3A_509 : vector<16xf32>
      %sub3A_511 = vector.broadcast %max3A_507 : f32 to vector<16xf32>
      %sub3A_512 = arith.subf %select_n3A_498, %sub3A_511 : vector<16xf32>
      %exp3A_513 = math.exp %sub3A_512 : vector<16xf32>
      %reduce_sum3A_514 = arith.constant true
      %reduce_sum3A_515 = vector.broadcast %reduce_sum3A_514 : i1 to vector<16xi1>
      %reduce_sum3A_516 = tpu.scan <sum>, %exp3A_510 masked %reduce_sum3A_515 : vector<16xf32>, vector<16xi1> -> vector<16xf32>
      %reduce_sum3A_517 = vector.extract %reduce_sum3A_516[15] : f32 from vector<16xf32>
      %reduce_sum3A_518 = arith.constant true
      %reduce_sum3A_519 = vector.broadcast %reduce_sum3A_518 : i1 to vector<16xi1>
      %reduce_sum3A_520 = tpu.scan <sum>, %exp3A_513 masked %reduce_sum3A_519 : vector<16xf32>, vector<16xi1> -> vector<16xf32>
      %reduce_sum3A_521 = vector.extract %reduce_sum3A_520[15] : f32 from vector<16xf32>
      %add3A_522 = arith.addf %reduce_sum3A_517, %reduce_sum3A_521 : f32
      %div3A_523 = vector.broadcast %add3A_522 : f32 to vector<16xf32>
      %div3A_524 = arith.divf %exp3A_510, %div3A_523 : vector<16xf32>
      %div3A_525 = vector.broadcast %add3A_522 : f32 to vector<16xf32>
      %div3A_526 = arith.divf %exp3A_513, %div3A_525 : vector<16xf32>
      %swap3A_527 = arith.constant 0 : index
      %swap3A_528 = tpu.vector_load %arg11[%swap3A_527] {strides = array<i32>} : memref<32xf32, #tpu.memory_space<vmem>>, vector<16xf32>,
      tpu.vector_store %arg11[%swap3A_527], %div3A_524 {strides = array<i32>} : memref<32xf32, #tpu.memory_space<vmem>>, vector<16xf32>,
      %swap3A_529 = arith.constant 16 : index
      %swap3A_530 = tpu.vector_load %arg11[%swap3A_529] {strides = array<i32>} : memref<32xf32, #tpu.memory_space<vmem>>, vector<16xf32>,
      tpu.vector_store %arg11[%swap3A_529], %div3A_526 {strides = array<i32>} : memref<32xf32, #tpu.memory_space<vmem>>, vector<16xf32>,
      %swap3A_531 = arith.constant 42 : index
      %swap3A_532 = tpu.vector_load %arg12[%swap3A_531] {strides = array<i32>} : memref<336xf32, #tpu.memory_space<vmem>>, vector<16xf32>,
      tpu.vector_store %arg12[%swap3A_531], %div3A_524 {strides = array<i32>} : memref<336xf32, #tpu.memory_space<vmem>>, vector<16xf32>,
      %get3A_533 = arith.constant 5 : index
      %get3A_534 = tpu.vector_load %arg11[%get3A_533] {strides = array<i32>} : memref<32xf32, #tpu.memory_space<vmem>>, vector<16xf32>,
      %swap3A_535 = arith.constant 47 : index
      %swap3A_536 = tpu.vector_load %arg12[%swap3A_535] {strides = array<i32>} : memref<336xf32, #tpu.memory_space<vmem>>, vector<16xf32>,
      tpu.vector_store %arg12[%swap3A_535], %get3A_534 {strides = array<i32>} : memref<336xf32, #tpu.memory_space<vmem>>, vector<16xf32>,
      %slice3A_537 = vector.extract_strided_slice %mul3A_400 {offsets = [3], sizes = [1], strides = [1]} : vector<16xf32> to vector<1xf32>
      %squeeze3A_538 = vector.extract %slice3A_537[0] : f32 from vector<1xf32>
      %mul3A_539 = vector.broadcast %squeeze3A_538 : f32 to vector<16xf32>
      %mul3A_540 = arith.mulf %mul3A_539, %get3A_401 : vector<16xf32>
      %mul3A_541 = vector.broadcast %squeeze3A_538 : f32 to vector<16xf32>
      %mul3A_542 = arith.mulf %mul3A_541, %get3A_403 : vector<16xf32>
      %select_n3A_543 = arith.select %ge3A_408, %broadcast_in_dim3A_410, %mul3A_542 : vector<16xi1>, vector<16xf32>
      %reduce_max3A_544 = arith.constant true
      %reduce_max3A_545 = vector.broadcast %reduce_max3A_544 : i1 to vector<16xi1>
      %reduce_max3A_546 = tpu.scan <max>, %mul3A_540 masked %reduce_max3A_545 : vector<16xf32>, vector<16xi1> -> vector<16xf32>
      %reduce_max3A_547 = vector.extract %reduce_max3A_546[15] : f32 from vector<16xf32>
      %reduce_max3A_548 = arith.constant true
      %reduce_max3A_549 = vector.broadcast %reduce_max3A_548 : i1 to vector<16xi1>
      %reduce_max3A_550 = tpu.scan <max>, %select_n3A_543 masked %reduce_max3A_549 : vector<16xf32>, vector<16xi1> -> vector<16xf32>
      %reduce_max3A_551 = vector.extract %reduce_max3A_550[15] : f32 from vector<16xf32>
      %max3A_552 = arith.maximumf %reduce_max3A_547, %reduce_max3A_551 : f32
      %sub3A_553 = vector.broadcast %max3A_552 : f32 to vector<16xf32>
      %sub3A_554 = arith.subf %mul3A_540, %sub3A_553 : vector<16xf32>
      %exp3A_555 = math.exp %sub3A_554 : vector<16xf32>
      %sub3A_556 = vector.broadcast %max3A_552 : f32 to vector<16xf32>
      %sub3A_557 = arith.subf %select_n3A_543, %sub3A_556 : vector<16xf32>
      %exp3A_558 = math.exp %sub3A_557 : vector<16xf32>
      %reduce_sum3A_559 = arith.constant true
      %reduce_sum3A_560 = vector.broadcast %reduce_sum3A_559 : i1 to vector<16xi1>
      %reduce_sum3A_561 = tpu.scan <sum>, %exp3A_555 masked %reduce_sum3A_560 : vector<16xf32>, vector<16xi1> -> vector<16xf32>
      %reduce_sum3A_562 = vector.extract %reduce_sum3A_561[15] : f32 from vector<16xf32>
      %reduce_sum3A_563 = arith.constant true
      %reduce_sum3A_564 = vector.broadcast %reduce_sum3A_563 : i1 to vector<16xi1>
      %reduce_sum3A_565 = tpu.scan <sum>, %exp3A_558 masked %reduce_sum3A_564 : vector<16xf32>, vector<16xi1> -> vector<16xf32>
      %reduce_sum3A_566 = vector.extract %reduce_sum3A_565[15] : f32 from vector<16xf32>
      %add3A_567 = arith.addf %reduce_sum3A_562, %reduce_sum3A_566 : f32
      %div3A_568 = vector.broadcast %add3A_567 : f32 to vector<16xf32>
      %div3A_569 = arith.divf %exp3A_555, %div3A_568 : vector<16xf32>
      %div3A_570 = vector.broadcast %add3A_567 : f32 to vector<16xf32>
      %div3A_571 = arith.divf %exp3A_558, %div3A_570 : vector<16xf32>
      %swap3A_572 = arith.constant 0 : index
      %swap3A_573 = tpu.vector_load %arg11[%swap3A_572] {strides = array<i32>} : memref<32xf32, #tpu.memory_space<vmem>>, vector<16xf32>,
      tpu.vector_store %arg11[%swap3A_572], %div3A_569 {strides = array<i32>} : memref<32xf32, #tpu.memory_space<vmem>>, vector<16xf32>,
      %swap3A_574 = arith.constant 16 : index
      %swap3A_575 = tpu.vector_load %arg11[%swap3A_574] {strides = array<i32>} : memref<32xf32, #tpu.memory_space<vmem>>, vector<16xf32>,
      tpu.vector_store %arg11[%swap3A_574], %div3A_571 {strides = array<i32>} : memref<32xf32, #tpu.memory_space<vmem>>, vector<16xf32>,
      %swap3A_576 = arith.constant 63 : index
      %swap3A_577 = tpu.vector_load %arg12[%swap3A_576] {strides = array<i32>} : memref<336xf32, #tpu.memory_space<vmem>>, vector<16xf32>,
      tpu.vector_store %arg12[%swap3A_576], %div3A_569 {strides = array<i32>} : memref<336xf32, #tpu.memory_space<vmem>>, vector<16xf32>,
      %get3A_578 = arith.constant 5 : index
      %get3A_579 = tpu.vector_load %arg11[%get3A_578] {strides = array<i32>} : memref<32xf32, #tpu.memory_space<vmem>>, vector<16xf32>,
      %swap3A_580 = arith.constant 68 : index
      %swap3A_581 = tpu.vector_load %arg12[%swap3A_580] {strides = array<i32>} : memref<336xf32, #tpu.memory_space<vmem>>, vector<16xf32>,
      tpu.vector_store %arg12[%swap3A_580], %get3A_579 {strides = array<i32>} : memref<336xf32, #tpu.memory_space<vmem>>, vector<16xf32>,
      %slice3A_582 = vector.extract_strided_slice %mul3A_400 {offsets = [4], sizes = [1], strides = [1]} : vector<16xf32> to vector<1xf32>
      %squeeze3A_583 = vector.extract %slice3A_582[0] : f32 from vector<1xf32>
      %mul3A_584 = vector.broadcast %squeeze3A_583 : f32 to vector<16xf32>
      %mul3A_585 = arith.mulf %mul3A_584, %get3A_401 : vector<16xf32>
      %mul3A_586 = vector.broadcast %squeeze3A_583 : f32 to vector<16xf32>
      %mul3A_587 = arith.mulf %mul3A_586, %get3A_403 : vector<16xf32>
      %select_n3A_588 = arith.select %ge3A_408, %broadcast_in_dim3A_410, %mul3A_587 : vector<16xi1>, vector<16xf32>
      %reduce_max3A_589 = arith.constant true
      %reduce_max3A_590 = vector.broadcast %reduce_max3A_589 : i1 to vector<16xi1>
      %reduce_max3A_591 = tpu.scan <max>, %mul3A_585 masked %reduce_max3A_590 : vector<16xf32>, vector<16xi1> -> vector<16xf32>
      %reduce_max3A_592 = vector.extract %reduce_max3A_591[15] : f32 from vector<16xf32>
      %reduce_max3A_593 = arith.constant true
      %reduce_max3A_594 = vector.broadcast %reduce_max3A_593 : i1 to vector<16xi1>
      %reduce_max3A_595 = tpu.scan <max>, %select_n3A_588 masked %reduce_max3A_594 : vector<16xf32>, vector<16xi1> -> vector<16xf32>
      %reduce_max3A_596 = vector.extract %reduce_max3A_595[15] : f32 from vector<16xf32>
      %max3A_597 = arith.maximumf %reduce_max3A_592, %reduce_max3A_596 : f32
      %sub3A_598 = vector.broadcast %max3A_597 : f32 to vector<16xf32>
      %sub3A_599 = arith.subf %mul3A_585, %sub3A_598 : vector<16xf32>
      %exp3A_600 = math.exp %sub3A_599 : vector<16xf32>
      %sub3A_601 = vector.broadcast %max3A_597 : f32 to vector<16xf32>
      %sub3A_602 = arith.subf %select_n3A_588, %sub3A_601 : vector<16xf32>
      %exp3A_603 = math.exp %sub3A_602 : vector<16xf32>
      %reduce_sum3A_604 = arith.constant true
      %reduce_sum3A_605 = vector.broadcast %reduce_sum3A_604 : i1 to vector<16xi1>
      %reduce_sum3A_606 = tpu.scan <sum>, %exp3A_600 masked %reduce_sum3A_605 : vector<16xf32>, vector<16xi1> -> vector<16xf32>
      %reduce_sum3A_607 = vector.extract %reduce_sum3A_606[15] : f32 from vector<16xf32>
      %reduce_sum3A_608 = arith.constant true
      %reduce_sum3A_609 = vector.broadcast %reduce_sum3A_608 : i1 to vector<16xi1>
      %reduce_sum3A_610 = tpu.scan <sum>, %exp3A_603 masked %reduce_sum3A_609 : vector<16xf32>, vector<16xi1> -> vector<16xf32>
      %reduce_sum3A_611 = vector.extract %reduce_sum3A_610[15] : f32 from vector<16xf32>
      %add3A_612 = arith.addf %reduce_sum3A_607, %reduce_sum3A_611 : f32
      %div3A_613 = vector.broadcast %add3A_612 : f32 to vector<16xf32>
      %div3A_614 = arith.divf %exp3A_600, %div3A_613 : vector<16xf32>
      %div3A_615 = vector.broadcast %add3A_612 : f32 to vector<16xf32>
      %div3A_616 = arith.divf %exp3A_603, %div3A_615 : vector<16xf32>
      %swap3A_617 = arith.constant 0 : index
      %swap3A_618 = tpu.vector_load %arg11[%swap3A_617] {strides = array<i32>} : memref<32xf32, #tpu.memory_space<vmem>>, vector<16xf32>,
      tpu.vector_store %arg11[%swap3A_617], %div3A_614 {strides = array<i32>} : memref<32xf32, #tpu.memory_space<vmem>>, vector<16xf32>,
      %swap3A_619 = arith.constant 16 : index
      %swap3A_620 = tpu.vector_load %arg11[%swap3A_619] {strides = array<i32>} : memref<32xf32, #tpu.memory_space<vmem>>, vector<16xf32>,
      tpu.vector_store %arg11[%swap3A_619], %div3A_616 {strides = array<i32>} : memref<32xf32, #tpu.memory_space<vmem>>, vector<16xf32>,
      %swap3A_621 = arith.constant 84 : index
      %swap3A_622 = tpu.vector_load %arg12[%swap3A_621] {strides = array<i32>} : memref<336xf32, #tpu.memory_space<vmem>>, vector<16xf32>,
      tpu.vector_store %arg12[%swap3A_621], %div3A_614 {strides = array<i32>} : memref<336xf32, #tpu.memory_space<vmem>>, vector<16xf32>,
      %get3A_623 = arith.constant 5 : index
      %get3A_624 = tpu.vector_load %arg11[%get3A_623] {strides = array<i32>} : memref<32xf32, #tpu.memory_space<vmem>>, vector<16xf32>,
      %swap3A_625 = arith.constant 89 : index
      %swap3A_626 = tpu.vector_load %arg12[%swap3A_625] {strides = array<i32>} : memref<336xf32, #tpu.memory_space<vmem>>, vector<16xf32>,
      tpu.vector_store %arg12[%swap3A_625], %get3A_624 {strides = array<i32>} : memref<336xf32, #tpu.memory_space<vmem>>, vector<16xf32>,
      %slice3A_627 = vector.extract_strided_slice %mul3A_400 {offsets = [5], sizes = [1], strides = [1]} : vector<16xf32> to vector<1xf32>
      %squeeze3A_628 = vector.extract %slice3A_627[0] : f32 from vector<1xf32>
      %mul3A_629 = vector.broadcast %squeeze3A_628 : f32 to vector<16xf32>
      %mul3A_630 = arith.mulf %mul3A_629, %get3A_401 : vector<16xf32>
      %mul3A_631 = vector.broadcast %squeeze3A_628 : f32 to vector<16xf32>
      %mul3A_632 = arith.mulf %mul3A_631, %get3A_403 : vector<16xf32>
      %select_n3A_633 = arith.select %ge3A_408, %broadcast_in_dim3A_410, %mul3A_632 : vector<16xi1>, vector<16xf32>
      %reduce_max3A_634 = arith.constant true
      %reduce_max3A_635 = vector.broadcast %reduce_max3A_634 : i1 to vector<16xi1>
      %reduce_max3A_636 = tpu.scan <max>, %mul3A_630 masked %reduce_max3A_635 : vector<16xf32>, vector<16xi1> -> vector<16xf32>
      %reduce_max3A_637 = vector.extract %reduce_max3A_636[15] : f32 from vector<16xf32>
      %reduce_max3A_638 = arith.constant true
      %reduce_max3A_639 = vector.broadcast %reduce_max3A_638 : i1 to vector<16xi1>
      %reduce_max3A_640 = tpu.scan <max>, %select_n3A_633 masked %reduce_max3A_639 : vector<16xf32>, vector<16xi1> -> vector<16xf32>
      %reduce_max3A_641 = vector.extract %reduce_max3A_640[15] : f32 from vector<16xf32>
      %max3A_642 = arith.maximumf %reduce_max3A_637, %reduce_max3A_641 : f32
      %sub3A_643 = vector.broadcast %max3A_642 : f32 to vector<16xf32>
      %sub3A_644 = arith.subf %mul3A_630, %sub3A_643 : vector<16xf32>
      %exp3A_645 = math.exp %sub3A_644 : vector<16xf32>
      %sub3A_646 = vector.broadcast %max3A_642 : f32 to vector<16xf32>
      %sub3A_647 = arith.subf %select_n3A_633, %sub3A_646 : vector<16xf32>
      %exp3A_648 = math.exp %sub3A_647 : vector<16xf32>
      %reduce_sum3A_649 = arith.constant true
      %reduce_sum3A_650 = vector.broadcast %reduce_sum3A_649 : i1 to vector<16xi1>
      %reduce_sum3A_651 = tpu.scan <sum>, %exp3A_645 masked %reduce_sum3A_650 : vector<16xf32>, vector<16xi1> -> vector<16xf32>
      %reduce_sum3A_652 = vector.extract %reduce_sum3A_651[15] : f32 from vector<16xf32>
      %reduce_sum3A_653 = arith.constant true
      %reduce_sum3A_654 = vector.broadcast %reduce_sum3A_653 : i1 to vector<16xi1>
      %reduce_sum3A_655 = tpu.scan <sum>, %exp3A_648 masked %reduce_sum3A_654 : vector<16xf32>, vector<16xi1> -> vector<16xf32>
      %reduce_sum3A_656 = vector.extract %reduce_sum3A_655[15] : f32 from vector<16xf32>
      %add3A_657 = arith.addf %reduce_sum3A_652, %reduce_sum3A_656 : f32
      %div3A_658 = vector.broadcast %add3A_657 : f32 to vector<16xf32>
      %div3A_659 = arith.divf %exp3A_645, %div3A_658 : vector<16xf32>
      %div3A_660 = vector.broadcast %add3A_657 : f32 to vector<16xf32>
      %div3A_661 = arith.divf %exp3A_648, %div3A_660 : vector<16xf32>
      %swap3A_662 = arith.constant 0 : index
      %swap3A_663 = tpu.vector_load %arg11[%swap3A_662] {strides = array<i32>} : memref<32xf32, #tpu.memory_space<vmem>>, vector<16xf32>,
      tpu.vector_store %arg11[%swap3A_662], %div3A_659 {strides = array<i32>} : memref<32xf32, #tpu.memory_space<vmem>>, vector<16xf32>,
      %swap3A_664 = arith.constant 16 : index
      %swap3A_665 = tpu.vector_load %arg11[%swap3A_664] {strides = array<i32>} : memref<32xf32, #tpu.memory_space<vmem>>, vector<16xf32>,
      tpu.vector_store %arg11[%swap3A_664], %div3A_661 {strides = array<i32>} : memref<32xf32, #tpu.memory_space<vmem>>, vector<16xf32>,
      %swap3A_666 = arith.constant 105 : index
      %swap3A_667 = tpu.vector_load %arg12[%swap3A_666] {strides = array<i32>} : memref<336xf32, #tpu.memory_space<vmem>>, vector<16xf32>,
      tpu.vector_store %arg12[%swap3A_666], %div3A_659 {strides = array<i32>} : memref<336xf32, #tpu.memory_space<vmem>>, vector<16xf32>,
      %get3A_668 = arith.constant 5 : index
      %get3A_669 = tpu.vector_load %arg11[%get3A_668] {strides = array<i32>} : memref<32xf32, #tpu.memory_space<vmem>>, vector<16xf32>,
      %swap3A_670 = arith.constant 110 : index
      %swap3A_671 = tpu.vector_load %arg12[%swap3A_670] {strides = array<i32>} : memref<336xf32, #tpu.memory_space<vmem>>, vector<16xf32>,
      tpu.vector_store %arg12[%swap3A_670], %get3A_669 {strides = array<i32>} : memref<336xf32, #tpu.memory_space<vmem>>, vector<16xf32>,
      %slice3A_672 = vector.extract_strided_slice %mul3A_400 {offsets = [6], sizes = [1], strides = [1]} : vector<16xf32> to vector<1xf32>
      %squeeze3A_673 = vector.extract %slice3A_672[0] : f32 from vector<1xf32>
      %mul3A_674 = vector.broadcast %squeeze3A_673 : f32 to vector<16xf32>
      %mul3A_675 = arith.mulf %mul3A_674, %get3A_401 : vector<16xf32>
      %mul3A_676 = vector.broadcast %squeeze3A_673 : f32 to vector<16xf32>
      %mul3A_677 = arith.mulf %mul3A_676, %get3A_403 : vector<16xf32>
      %select_n3A_678 = arith.select %ge3A_408, %broadcast_in_dim3A_410, %mul3A_677 : vector<16xi1>, vector<16xf32>
      %reduce_max3A_679 = arith.constant true
      %reduce_max3A_680 = vector.broadcast %reduce_max3A_679 : i1 to vector<16xi1>
      %reduce_max3A_681 = tpu.scan <max>, %mul3A_675 masked %reduce_max3A_680 : vector<16xf32>, vector<16xi1> -> vector<16xf32>
      %reduce_max3A_682 = vector.extract %reduce_max3A_681[15] : f32 from vector<16xf32>
      %reduce_max3A_683 = arith.constant true
      %reduce_max3A_684 = vector.broadcast %reduce_max3A_683 : i1 to vector<16xi1>
      %reduce_max3A_685 = tpu.scan <max>, %select_n3A_678 masked %reduce_max3A_684 : vector<16xf32>, vector<16xi1> -> vector<16xf32>
      %reduce_max3A_686 = vector.extract %reduce_max3A_685[15] : f32 from vector<16xf32>
      %max3A_687 = arith.maximumf %reduce_max3A_682, %reduce_max3A_686 : f32
      %sub3A_688 = vector.broadcast %max3A_687 : f32 to vector<16xf32>
      %sub3A_689 = arith.subf %mul3A_675, %sub3A_688 : vector<16xf32>
      %exp3A_690 = math.exp %sub3A_689 : vector<16xf32>
      %sub3A_691 = vector.broadcast %max3A_687 : f32 to vector<16xf32>
      %sub3A_692 = arith.subf %select_n3A_678, %sub3A_691 : vector<16xf32>
      %exp3A_693 = math.exp %sub3A_692 : vector<16xf32>
      %reduce_sum3A_694 = arith.constant true
      %reduce_sum3A_695 = vector.broadcast %reduce_sum3A_694 : i1 to vector<16xi1>
      %reduce_sum3A_696 = tpu.scan <sum>, %exp3A_690 masked %reduce_sum3A_695 : vector<16xf32>, vector<16xi1> -> vector<16xf32>
      %reduce_sum3A_697 = vector.extract %reduce_sum3A_696[15] : f32 from vector<16xf32>
      %reduce_sum3A_698 = arith.constant true
      %reduce_sum3A_699 = vector.broadcast %reduce_sum3A_698 : i1 to vector<16xi1>
      %reduce_sum3A_700 = tpu.scan <sum>, %exp3A_693 masked %reduce_sum3A_699 : vector<16xf32>, vector<16xi1> -> vector<16xf32>
      %reduce_sum3A_701 = vector.extract %reduce_sum3A_700[15] : f32 from vector<16xf32>
      %add3A_702 = arith.addf %reduce_sum3A_697, %reduce_sum3A_701 : f32
      %div3A_703 = vector.broadcast %add3A_702 : f32 to vector<16xf32>
      %div3A_704 = arith.divf %exp3A_690, %div3A_703 : vector<16xf32>
      %div3A_705 = vector.broadcast %add3A_702 : f32 to vector<16xf32>
      %div3A_706 = arith.divf %exp3A_693, %div3A_705 : vector<16xf32>
      %swap3A_707 = arith.constant 0 : index
      %swap3A_708 = tpu.vector_load %arg11[%swap3A_707] {strides = array<i32>} : memref<32xf32, #tpu.memory_space<vmem>>, vector<16xf32>,
      tpu.vector_store %arg11[%swap3A_707], %div3A_704 {strides = array<i32>} : memref<32xf32, #tpu.memory_space<vmem>>, vector<16xf32>,
      %swap3A_709 = arith.constant 16 : index
      %swap3A_710 = tpu.vector_load %arg11[%swap3A_709] {strides = array<i32>} : memref<32xf32, #tpu.memory_space<vmem>>, vector<16xf32>,
      tpu.vector_store %arg11[%swap3A_709], %div3A_706 {strides = array<i32>} : memref<32xf32, #tpu.memory_space<vmem>>, vector<16xf32>,
      %swap3A_711 = arith.constant 126 : index
      %swap3A_712 = tpu.vector_load %arg12[%swap3A_711] {strides = array<i32>} : memref<336xf32, #tpu.memory_space<vmem>>, vector<16xf32>,
      tpu.vector_store %arg12[%swap3A_711], %div3A_704 {strides = array<i32>} : memref<336xf32, #tpu.memory_space<vmem>>, vector<16xf32>,
      %get3A_713 = arith.constant 5 : index
      %get3A_714 = tpu.vector_load %arg11[%get3A_713] {strides = array<i32>} : memref<32xf32, #tpu.memory_space<vmem>>, vector<16xf32>,
      %swap3A_715 = arith.constant 131 : index
      %swap3A_716 = tpu.vector_load %arg12[%swap3A_715] {strides = array<i32>} : memref<336xf32, #tpu.memory_space<vmem>>, vector<16xf32>,
      tpu.vector_store %arg12[%swap3A_715], %get3A_714 {strides = array<i32>} : memref<336xf32, #tpu.memory_space<vmem>>, vector<16xf32>,
      %slice3A_717 = vector.extract_strided_slice %mul3A_400 {offsets = [7], sizes = [1], strides = [1]} : vector<16xf32> to vector<1xf32>
      %squeeze3A_718 = vector.extract %slice3A_717[0] : f32 from vector<1xf32>
      %mul3A_719 = vector.broadcast %squeeze3A_718 : f32 to vector<16xf32>
      %mul3A_720 = arith.mulf %mul3A_719, %get3A_401 : vector<16xf32>
      %mul3A_721 = vector.broadcast %squeeze3A_718 : f32 to vector<16xf32>
      %mul3A_722 = arith.mulf %mul3A_721, %get3A_403 : vector<16xf32>
      %select_n3A_723 = arith.select %ge3A_408, %broadcast_in_dim3A_410, %mul3A_722 : vector<16xi1>, vector<16xf32>
      %reduce_max3A_724 = arith.constant true
      %reduce_max3A_725 = vector.broadcast %reduce_max3A_724 : i1 to vector<16xi1>
      %reduce_max3A_726 = tpu.scan <max>, %mul3A_720 masked %reduce_max3A_725 : vector<16xf32>, vector<16xi1> -> vector<16xf32>
      %reduce_max3A_727 = vector.extract %reduce_max3A_726[15] : f32 from vector<16xf32>
      %reduce_max3A_728 = arith.constant true
      %reduce_max3A_729 = vector.broadcast %reduce_max3A_728 : i1 to vector<16xi1>
      %reduce_max3A_730 = tpu.scan <max>, %select_n3A_723 masked %reduce_max3A_729 : vector<16xf32>, vector<16xi1> -> vector<16xf32>
      %reduce_max3A_731 = vector.extract %reduce_max3A_730[15] : f32 from vector<16xf32>
      %max3A_732 = arith.maximumf %reduce_max3A_727, %reduce_max3A_731 : f32
      %sub3A_733 = vector.broadcast %max3A_732 : f32 to vector<16xf32>
      %sub3A_734 = arith.subf %mul3A_720, %sub3A_733 : vector<16xf32>
      %exp3A_735 = math.exp %sub3A_734 : vector<16xf32>
      %sub3A_736 = vector.broadcast %max3A_732 : f32 to vector<16xf32>
      %sub3A_737 = arith.subf %select_n3A_723, %sub3A_736 : vector<16xf32>
      %exp3A_738 = math.exp %sub3A_737 : vector<16xf32>
      %reduce_sum3A_739 = arith.constant true
      %reduce_sum3A_740 = vector.broadcast %reduce_sum3A_739 : i1 to vector<16xi1>
      %reduce_sum3A_741 = tpu.scan <sum>, %exp3A_735 masked %reduce_sum3A_740 : vector<16xf32>, vector<16xi1> -> vector<16xf32>
      %reduce_sum3A_742 = vector.extract %reduce_sum3A_741[15] : f32 from vector<16xf32>
      %reduce_sum3A_743 = arith.constant true
      %reduce_sum3A_744 = vector.broadcast %reduce_sum3A_743 : i1 to vector<16xi1>
      %reduce_sum3A_745 = tpu.scan <sum>, %exp3A_738 masked %reduce_sum3A_744 : vector<16xf32>, vector<16xi1> -> vector<16xf32>
      %reduce_sum3A_746 = vector.extract %reduce_sum3A_745[15] : f32 from vector<16xf32>
      %add3A_747 = arith.addf %reduce_sum3A_742, %reduce_sum3A_746 : f32
      %div3A_748 = vector.broadcast %add3A_747 : f32 to vector<16xf32>
      %div3A_749 = arith.divf %exp3A_735, %div3A_748 : vector<16xf32>
      %div3A_750 = vector.broadcast %add3A_747 : f32 to vector<16xf32>
      %div3A_751 = arith.divf %exp3A_738, %div3A_750 : vector<16xf32>
      %swap3A_752 = arith.constant 0 : index
      %swap3A_753 = tpu.vector_load %arg11[%swap3A_752] {strides = array<i32>} : memref<32xf32, #tpu.memory_space<vmem>>, vector<16xf32>,
      tpu.vector_store %arg11[%swap3A_752], %div3A_749 {strides = array<i32>} : memref<32xf32, #tpu.memory_space<vmem>>, vector<16xf32>,
      %swap3A_754 = arith.constant 16 : index
      %swap3A_755 = tpu.vector_load %arg11[%swap3A_754] {strides = array<i32>} : memref<32xf32, #tpu.memory_space<vmem>>, vector<16xf32>,
      tpu.vector_store %arg11[%swap3A_754], %div3A_751 {strides = array<i32>} : memref<32xf32, #tpu.memory_space<vmem>>, vector<16xf32>,
      %swap3A_756 = arith.constant 147 : index
      %swap3A_757 = tpu.vector_load %arg12[%swap3A_756] {strides = array<i32>} : memref<336xf32, #tpu.memory_space<vmem>>, vector<16xf32>,
      tpu.vector_store %arg12[%swap3A_756], %div3A_749 {strides = array<i32>} : memref<336xf32, #tpu.memory_space<vmem>>, vector<16xf32>,
      %get3A_758 = arith.constant 5 : index
      %get3A_759 = tpu.vector_load %arg11[%get3A_758] {strides = array<i32>} : memref<32xf32, #tpu.memory_space<vmem>>, vector<16xf32>,
      %swap3A_760 = arith.constant 152 : index
      %swap3A_761 = tpu.vector_load %arg12[%swap3A_760] {strides = array<i32>} : memref<336xf32, #tpu.memory_space<vmem>>, vector<16xf32>,
      tpu.vector_store %arg12[%swap3A_760], %get3A_759 {strides = array<i32>} : memref<336xf32, #tpu.memory_space<vmem>>, vector<16xf32>,
      %slice3A_762 = vector.extract_strided_slice %mul3A_400 {offsets = [8], sizes = [1], strides = [1]} : vector<16xf32> to vector<1xf32>
      %squeeze3A_763 = vector.extract %slice3A_762[0] : f32 from vector<1xf32>
      %mul3A_764 = vector.broadcast %squeeze3A_763 : f32 to vector<16xf32>
      %mul3A_765 = arith.mulf %mul3A_764, %get3A_401 : vector<16xf32>
      %mul3A_766 = vector.broadcast %squeeze3A_763 : f32 to vector<16xf32>
      %mul3A_767 = arith.mulf %mul3A_766, %get3A_403 : vector<16xf32>
      %select_n3A_768 = arith.select %ge3A_408, %broadcast_in_dim3A_410, %mul3A_767 : vector<16xi1>, vector<16xf32>
      %reduce_max3A_769 = arith.constant true
      %reduce_max3A_770 = vector.broadcast %reduce_max3A_769 : i1 to vector<16xi1>
      %reduce_max3A_771 = tpu.scan <max>, %mul3A_765 masked %reduce_max3A_770 : vector<16xf32>, vector<16xi1> -> vector<16xf32>
      %reduce_max3A_772 = vector.extract %reduce_max3A_771[15] : f32 from vector<16xf32>
      %reduce_max3A_773 = arith.constant true
      %reduce_max3A_774 = vector.broadcast %reduce_max3A_773 : i1 to vector<16xi1>
      %reduce_max3A_775 = tpu.scan <max>, %select_n3A_768 masked %reduce_max3A_774 : vector<16xf32>, vector<16xi1> -> vector<16xf32>
      %reduce_max3A_776 = vector.extract %reduce_max3A_775[15] : f32 from vector<16xf32>
      %max3A_777 = arith.maximumf %reduce_max3A_772, %reduce_max3A_776 : f32
      %sub3A_778 = vector.broadcast %max3A_777 : f32 to vector<16xf32>
      %sub3A_779 = arith.subf %mul3A_765, %sub3A_778 : vector<16xf32>
      %exp3A_780 = math.exp %sub3A_779 : vector<16xf32>
      %sub3A_781 = vector.broadcast %max3A_777 : f32 to vector<16xf32>
      %sub3A_782 = arith.subf %select_n3A_768, %sub3A_781 : vector<16xf32>
      %exp3A_783 = math.exp %sub3A_782 : vector<16xf32>
      %reduce_sum3A_784 = arith.constant true
      %reduce_sum3A_785 = vector.broadcast %reduce_sum3A_784 : i1 to vector<16xi1>
      %reduce_sum3A_786 = tpu.scan <sum>, %exp3A_780 masked %reduce_sum3A_785 : vector<16xf32>, vector<16xi1> -> vector<16xf32>
      %reduce_sum3A_787 = vector.extract %reduce_sum3A_786[15] : f32 from vector<16xf32>
      %reduce_sum3A_788 = arith.constant true
      %reduce_sum3A_789 = vector.broadcast %reduce_sum3A_788 : i1 to vector<16xi1>
      %reduce_sum3A_790 = tpu.scan <sum>, %exp3A_783 masked %reduce_sum3A_789 : vector<16xf32>, vector<16xi1> -> vector<16xf32>
      %reduce_sum3A_791 = vector.extract %reduce_sum3A_790[15] : f32 from vector<16xf32>
      %add3A_792 = arith.addf %reduce_sum3A_787, %reduce_sum3A_791 : f32
      %div3A_793 = vector.broadcast %add3A_792 : f32 to vector<16xf32>
      %div3A_794 = arith.divf %exp3A_780, %div3A_793 : vector<16xf32>
      %div3A_795 = vector.broadcast %add3A_792 : f32 to vector<16xf32>
      %div3A_796 = arith.divf %exp3A_783, %div3A_795 : vector<16xf32>
      %swap3A_797 = arith.constant 0 : index
      %swap3A_798 = tpu.vector_load %arg11[%swap3A_797] {strides = array<i32>} : memref<32xf32, #tpu.memory_space<vmem>>, vector<16xf32>,
      tpu.vector_store %arg11[%swap3A_797], %div3A_794 {strides = array<i32>} : memref<32xf32, #tpu.memory_space<vmem>>, vector<16xf32>,
      %swap3A_799 = arith.constant 16 : index
      %swap3A_800 = tpu.vector_load %arg11[%swap3A_799] {strides = array<i32>} : memref<32xf32, #tpu.memory_space<vmem>>, vector<16xf32>,
      tpu.vector_store %arg11[%swap3A_799], %div3A_796 {strides = array<i32>} : memref<32xf32, #tpu.memory_space<vmem>>, vector<16xf32>,
      %swap3A_801 = arith.constant 168 : index
      %swap3A_802 = tpu.vector_load %arg12[%swap3A_801] {strides = array<i32>} : memref<336xf32, #tpu.memory_space<vmem>>, vector<16xf32>,
      tpu.vector_store %arg12[%swap3A_801], %div3A_794 {strides = array<i32>} : memref<336xf32, #tpu.memory_space<vmem>>, vector<16xf32>,
      %get3A_803 = arith.constant 5 : index
      %get3A_804 = tpu.vector_load %arg11[%get3A_803] {strides = array<i32>} : memref<32xf32, #tpu.memory_space<vmem>>, vector<16xf32>,
      %swap3A_805 = arith.constant 173 : index
      %swap3A_806 = tpu.vector_load %arg12[%swap3A_805] {strides = array<i32>} : memref<336xf32, #tpu.memory_space<vmem>>, vector<16xf32>,
      tpu.vector_store %arg12[%swap3A_805], %get3A_804 {strides = array<i32>} : memref<336xf32, #tpu.memory_space<vmem>>, vector<16xf32>,
      %slice3A_807 = vector.extract_strided_slice %mul3A_400 {offsets = [9], sizes = [1], strides = [1]} : vector<16xf32> to vector<1xf32>
      %squeeze3A_808 = vector.extract %slice3A_807[0] : f32 from vector<1xf32>
      %mul3A_809 = vector.broadcast %squeeze3A_808 : f32 to vector<16xf32>
      %mul3A_810 = arith.mulf %mul3A_809, %get3A_401 : vector<16xf32>
      %mul3A_811 = vector.broadcast %squeeze3A_808 : f32 to vector<16xf32>
      %mul3A_812 = arith.mulf %mul3A_811, %get3A_403 : vector<16xf32>
      %select_n3A_813 = arith.select %ge3A_408, %broadcast_in_dim3A_410, %mul3A_812 : vector<16xi1>, vector<16xf32>
      %reduce_max3A_814 = arith.constant true
      %reduce_max3A_815 = vector.broadcast %reduce_max3A_814 : i1 to vector<16xi1>
      %reduce_max3A_816 = tpu.scan <max>, %mul3A_810 masked %reduce_max3A_815 : vector<16xf32>, vector<16xi1> -> vector<16xf32>
      %reduce_max3A_817 = vector.extract %reduce_max3A_816[15] : f32 from vector<16xf32>
      %reduce_max3A_818 = arith.constant true
      %reduce_max3A_819 = vector.broadcast %reduce_max3A_818 : i1 to vector<16xi1>
      %reduce_max3A_820 = tpu.scan <max>, %select_n3A_813 masked %reduce_max3A_819 : vector<16xf32>, vector<16xi1> -> vector<16xf32>
      %reduce_max3A_821 = vector.extract %reduce_max3A_820[15] : f32 from vector<16xf32>
      %max3A_822 = arith.maximumf %reduce_max3A_817, %reduce_max3A_821 : f32
      %sub3A_823 = vector.broadcast %max3A_822 : f32 to vector<16xf32>
      %sub3A_824 = arith.subf %mul3A_810, %sub3A_823 : vector<16xf32>
      %exp3A_825 = math.exp %sub3A_824 : vector<16xf32>
      %sub3A_826 = vector.broadcast %max3A_822 : f32 to vector<16xf32>
      %sub3A_827 = arith.subf %select_n3A_813, %sub3A_826 : vector<16xf32>
      %exp3A_828 = math.exp %sub3A_827 : vector<16xf32>
      %reduce_sum3A_829 = arith.constant true
      %reduce_sum3A_830 = vector.broadcast %reduce_sum3A_829 : i1 to vector<16xi1>
      %reduce_sum3A_831 = tpu.scan <sum>, %exp3A_825 masked %reduce_sum3A_830 : vector<16xf32>, vector<16xi1> -> vector<16xf32>
      %reduce_sum3A_832 = vector.extract %reduce_sum3A_831[15] : f32 from vector<16xf32>
      %reduce_sum3A_833 = arith.constant true
      %reduce_sum3A_834 = vector.broadcast %reduce_sum3A_833 : i1 to vector<16xi1>
      %reduce_sum3A_835 = tpu.scan <sum>, %exp3A_828 masked %reduce_sum3A_834 : vector<16xf32>, vector<16xi1> -> vector<16xf32>
      %reduce_sum3A_836 = vector.extract %reduce_sum3A_835[15] : f32 from vector<16xf32>
      %add3A_837 = arith.addf %reduce_sum3A_832, %reduce_sum3A_836 : f32
      %div3A_838 = vector.broadcast %add3A_837 : f32 to vector<16xf32>
      %div3A_839 = arith.divf %exp3A_825, %div3A_838 : vector<16xf32>
      %div3A_840 = vector.broadcast %add3A_837 : f32 to vector<16xf32>
      %div3A_841 = arith.divf %exp3A_828, %div3A_840 : vector<16xf32>
      %swap3A_842 = arith.constant 0 : index
      %swap3A_843 = tpu.vector_load %arg11[%swap3A_842] {strides = array<i32>} : memref<32xf32, #tpu.memory_space<vmem>>, vector<16xf32>,
      tpu.vector_store %arg11[%swap3A_842], %div3A_839 {strides = array<i32>} : memref<32xf32, #tpu.memory_space<vmem>>, vector<16xf32>,
      %swap3A_844 = arith.constant 16 : index
      %swap3A_845 = tpu.vector_load %arg11[%swap3A_844] {strides = array<i32>} : memref<32xf32, #tpu.memory_space<vmem>>, vector<16xf32>,
      tpu.vector_store %arg11[%swap3A_844], %div3A_841 {strides = array<i32>} : memref<32xf32, #tpu.memory_space<vmem>>, vector<16xf32>,
      %swap3A_846 = arith.constant 189 : index
      %swap3A_847 = tpu.vector_load %arg12[%swap3A_846] {strides = array<i32>} : memref<336xf32, #tpu.memory_space<vmem>>, vector<16xf32>,
      tpu.vector_store %arg12[%swap3A_846], %div3A_839 {strides = array<i32>} : memref<336xf32, #tpu.memory_space<vmem>>, vector<16xf32>,
      %get3A_848 = arith.constant 5 : index
      %get3A_849 = tpu.vector_load %arg11[%get3A_848] {strides = array<i32>} : memref<32xf32, #tpu.memory_space<vmem>>, vector<16xf32>,
      %swap3A_850 = arith.constant 194 : index
      %swap3A_851 = tpu.vector_load %arg12[%swap3A_850] {strides = array<i32>} : memref<336xf32, #tpu.memory_space<vmem>>, vector<16xf32>,
      tpu.vector_store %arg12[%swap3A_850], %get3A_849 {strides = array<i32>} : memref<336xf32, #tpu.memory_space<vmem>>, vector<16xf32>,
      %slice3A_852 = vector.extract_strided_slice %mul3A_400 {offsets = [10], sizes = [1], strides = [1]} : vector<16xf32> to vector<1xf32>
      %squeeze3A_853 = vector.extract %slice3A_852[0] : f32 from vector<1xf32>
      %mul3A_854 = vector.broadcast %squeeze3A_853 : f32 to vector<16xf32>
      %mul3A_855 = arith.mulf %mul3A_854, %get3A_401 : vector<16xf32>
      %mul3A_856 = vector.broadcast %squeeze3A_853 : f32 to vector<16xf32>
      %mul3A_857 = arith.mulf %mul3A_856, %get3A_403 : vector<16xf32>
      %select_n3A_858 = arith.select %ge3A_408, %broadcast_in_dim3A_410, %mul3A_857 : vector<16xi1>, vector<16xf32>
      %reduce_max3A_859 = arith.constant true
      %reduce_max3A_860 = vector.broadcast %reduce_max3A_859 : i1 to vector<16xi1>
      %reduce_max3A_861 = tpu.scan <max>, %mul3A_855 masked %reduce_max3A_860 : vector<16xf32>, vector<16xi1> -> vector<16xf32>
      %reduce_max3A_862 = vector.extract %reduce_max3A_861[15] : f32 from vector<16xf32>
      %reduce_max3A_863 = arith.constant true
      %reduce_max3A_864 = vector.broadcast %reduce_max3A_863 : i1 to vector<16xi1>
      %reduce_max3A_865 = tpu.scan <max>, %select_n3A_858 masked %reduce_max3A_864 : vector<16xf32>, vector<16xi1> -> vector<16xf32>
      %reduce_max3A_866 = vector.extract %reduce_max3A_865[15] : f32 from vector<16xf32>
      %max3A_867 = arith.maximumf %reduce_max3A_862, %reduce_max3A_866 : f32
      %sub3A_868 = vector.broadcast %max3A_867 : f32 to vector<16xf32>
      %sub3A_869 = arith.subf %mul3A_855, %sub3A_868 : vector<16xf32>
      %exp3A_870 = math.exp %sub3A_869 : vector<16xf32>
      %sub3A_871 = vector.broadcast %max3A_867 : f32 to vector<16xf32>
      %sub3A_872 = arith.subf %select_n3A_858, %sub3A_871 : vector<16xf32>
      %exp3A_873 = math.exp %sub3A_872 : vector<16xf32>
      %reduce_sum3A_874 = arith.constant true
      %reduce_sum3A_875 = vector.broadcast %reduce_sum3A_874 : i1 to vector<16xi1>
      %reduce_sum3A_876 = tpu.scan <sum>, %exp3A_870 masked %reduce_sum3A_875 : vector<16xf32>, vector<16xi1> -> vector<16xf32>
      %reduce_sum3A_877 = vector.extract %reduce_sum3A_876[15] : f32 from vector<16xf32>
      %reduce_sum3A_878 = arith.constant true
      %reduce_sum3A_879 = vector.broadcast %reduce_sum3A_878 : i1 to vector<16xi1>
      %reduce_sum3A_880 = tpu.scan <sum>, %exp3A_873 masked %reduce_sum3A_879 : vector<16xf32>, vector<16xi1> -> vector<16xf32>
      %reduce_sum3A_881 = vector.extract %reduce_sum3A_880[15] : f32 from vector<16xf32>
      %add3A_882 = arith.addf %reduce_sum3A_877, %reduce_sum3A_881 : f32
      %div3A_883 = vector.broadcast %add3A_882 : f32 to vector<16xf32>
      %div3A_884 = arith.divf %exp3A_870, %div3A_883 : vector<16xf32>
      %div3A_885 = vector.broadcast %add3A_882 : f32 to vector<16xf32>
      %div3A_886 = arith.divf %exp3A_873, %div3A_885 : vector<16xf32>
      %swap3A_887 = arith.constant 0 : index
      %swap3A_888 = tpu.vector_load %arg11[%swap3A_887] {strides = array<i32>} : memref<32xf32, #tpu.memory_space<vmem>>, vector<16xf32>,
      tpu.vector_store %arg11[%swap3A_887], %div3A_884 {strides = array<i32>} : memref<32xf32, #tpu.memory_space<vmem>>, vector<16xf32>,
      %swap3A_889 = arith.constant 16 : index
      %swap3A_890 = tpu.vector_load %arg11[%swap3A_889] {strides = array<i32>} : memref<32xf32, #tpu.memory_space<vmem>>, vector<16xf32>,
      tpu.vector_store %arg11[%swap3A_889], %div3A_886 {strides = array<i32>} : memref<32xf32, #tpu.memory_space<vmem>>, vector<16xf32>,
      %swap3A_891 = arith.constant 210 : index
      %swap3A_892 = tpu.vector_load %arg12[%swap3A_891] {strides = array<i32>} : memref<336xf32, #tpu.memory_space<vmem>>, vector<16xf32>,
      tpu.vector_store %arg12[%swap3A_891], %div3A_884 {strides = array<i32>} : memref<336xf32, #tpu.memory_space<vmem>>, vector<16xf32>,
      %get3A_893 = arith.constant 5 : index
      %get3A_894 = tpu.vector_load %arg11[%get3A_893] {strides = array<i32>} : memref<32xf32, #tpu.memory_space<vmem>>, vector<16xf32>,
      %swap3A_895 = arith.constant 215 : index
      %swap3A_896 = tpu.vector_load %arg12[%swap3A_895] {strides = array<i32>} : memref<336xf32, #tpu.memory_space<vmem>>, vector<16xf32>,
      tpu.vector_store %arg12[%swap3A_895], %get3A_894 {strides = array<i32>} : memref<336xf32, #tpu.memory_space<vmem>>, vector<16xf32>,
      %slice3A_897 = vector.extract_strided_slice %mul3A_400 {offsets = [11], sizes = [1], strides = [1]} : vector<16xf32> to vector<1xf32>
      %squeeze3A_898 = vector.extract %slice3A_897[0] : f32 from vector<1xf32>
      %mul3A_899 = vector.broadcast %squeeze3A_898 : f32 to vector<16xf32>
      %mul3A_900 = arith.mulf %mul3A_899, %get3A_401 : vector<16xf32>
      %mul3A_901 = vector.broadcast %squeeze3A_898 : f32 to vector<16xf32>
      %mul3A_902 = arith.mulf %mul3A_901, %get3A_403 : vector<16xf32>
      %select_n3A_903 = arith.select %ge3A_408, %broadcast_in_dim3A_410, %mul3A_902 : vector<16xi1>, vector<16xf32>
      %reduce_max3A_904 = arith.constant true
      %reduce_max3A_905 = vector.broadcast %reduce_max3A_904 : i1 to vector<16xi1>
      %reduce_max3A_906 = tpu.scan <max>, %mul3A_900 masked %reduce_max3A_905 : vector<16xf32>, vector<16xi1> -> vector<16xf32>
      %reduce_max3A_907 = vector.extract %reduce_max3A_906[15] : f32 from vector<16xf32>
      %reduce_max3A_908 = arith.constant true
      %reduce_max3A_909 = vector.broadcast %reduce_max3A_908 : i1 to vector<16xi1>
      %reduce_max3A_910 = tpu.scan <max>, %select_n3A_903 masked %reduce_max3A_909 : vector<16xf32>, vector<16xi1> -> vector<16xf32>
      %reduce_max3A_911 = vector.extract %reduce_max3A_910[15] : f32 from vector<16xf32>
      %max3A_912 = arith.maximumf %reduce_max3A_907, %reduce_max3A_911 : f32
      %sub3A_913 = vector.broadcast %max3A_912 : f32 to vector<16xf32>
      %sub3A_914 = arith.subf %mul3A_900, %sub3A_913 : vector<16xf32>
      %exp3A_915 = math.exp %sub3A_914 : vector<16xf32>
      %sub3A_916 = vector.broadcast %max3A_912 : f32 to vector<16xf32>
      %sub3A_917 = arith.subf %select_n3A_903, %sub3A_916 : vector<16xf32>
      %exp3A_918 = math.exp %sub3A_917 : vector<16xf32>
      %reduce_sum3A_919 = arith.constant true
      %reduce_sum3A_920 = vector.broadcast %reduce_sum3A_919 : i1 to vector<16xi1>
      %reduce_sum3A_921 = tpu.scan <sum>, %exp3A_915 masked %reduce_sum3A_920 : vector<16xf32>, vector<16xi1> -> vector<16xf32>
      %reduce_sum3A_922 = vector.extract %reduce_sum3A_921[15] : f32 from vector<16xf32>
      %reduce_sum3A_923 = arith.constant true
      %reduce_sum3A_924 = vector.broadcast %reduce_sum3A_923 : i1 to vector<16xi1>
      %reduce_sum3A_925 = tpu.scan <sum>, %exp3A_918 masked %reduce_sum3A_924 : vector<16xf32>, vector<16xi1> -> vector<16xf32>
      %reduce_sum3A_926 = vector.extract %reduce_sum3A_925[15] : f32 from vector<16xf32>
      %add3A_927 = arith.addf %reduce_sum3A_922, %reduce_sum3A_926 : f32
      %div3A_928 = vector.broadcast %add3A_927 : f32 to vector<16xf32>
      %div3A_929 = arith.divf %exp3A_915, %div3A_928 : vector<16xf32>
      %div3A_930 = vector.broadcast %add3A_927 : f32 to vector<16xf32>
      %div3A_931 = arith.divf %exp3A_918, %div3A_930 : vector<16xf32>
      %swap3A_932 = arith.constant 0 : index
      %swap3A_933 = tpu.vector_load %arg11[%swap3A_932] {strides = array<i32>} : memref<32xf32, #tpu.memory_space<vmem>>, vector<16xf32>,
      tpu.vector_store %arg11[%swap3A_932], %div3A_929 {strides = array<i32>} : memref<32xf32, #tpu.memory_space<vmem>>, vector<16xf32>,
      %swap3A_934 = arith.constant 16 : index
      %swap3A_935 = tpu.vector_load %arg11[%swap3A_934] {strides = array<i32>} : memref<32xf32, #tpu.memory_space<vmem>>, vector<16xf32>,
      tpu.vector_store %arg11[%swap3A_934], %div3A_931 {strides = array<i32>} : memref<32xf32, #tpu.memory_space<vmem>>, vector<16xf32>,
      %swap3A_936 = arith.constant 231 : index
      %swap3A_937 = tpu.vector_load %arg12[%swap3A_936] {strides = array<i32>} : memref<336xf32, #tpu.memory_space<vmem>>, vector<16xf32>,
      tpu.vector_store %arg12[%swap3A_936], %div3A_929 {strides = array<i32>} : memref<336xf32, #tpu.memory_space<vmem>>, vector<16xf32>,
      %get3A_938 = arith.constant 5 : index
      %get3A_939 = tpu.vector_load %arg11[%get3A_938] {strides = array<i32>} : memref<32xf32, #tpu.memory_space<vmem>>, vector<16xf32>,
      %swap3A_940 = arith.constant 236 : index
      %swap3A_941 = tpu.vector_load %arg12[%swap3A_940] {strides = array<i32>} : memref<336xf32, #tpu.memory_space<vmem>>, vector<16xf32>,
      tpu.vector_store %arg12[%swap3A_940], %get3A_939 {strides = array<i32>} : memref<336xf32, #tpu.memory_space<vmem>>, vector<16xf32>,
      %slice3A_942 = vector.extract_strided_slice %mul3A_400 {offsets = [12], sizes = [1], strides = [1]} : vector<16xf32> to vector<1xf32>
      %squeeze3A_943 = vector.extract %slice3A_942[0] : f32 from vector<1xf32>
      %mul3A_944 = vector.broadcast %squeeze3A_943 : f32 to vector<16xf32>
      %mul3A_945 = arith.mulf %mul3A_944, %get3A_401 : vector<16xf32>
      %mul3A_946 = vector.broadcast %squeeze3A_943 : f32 to vector<16xf32>
      %mul3A_947 = arith.mulf %mul3A_946, %get3A_403 : vector<16xf32>
      %select_n3A_948 = arith.select %ge3A_408, %broadcast_in_dim3A_410, %mul3A_947 : vector<16xi1>, vector<16xf32>
      %reduce_max3A_949 = arith.constant true
      %reduce_max3A_950 = vector.broadcast %reduce_max3A_949 : i1 to vector<16xi1>
      %reduce_max3A_951 = tpu.scan <max>, %mul3A_945 masked %reduce_max3A_950 : vector<16xf32>, vector<16xi1> -> vector<16xf32>
      %reduce_max3A_952 = vector.extract %reduce_max3A_951[15] : f32 from vector<16xf32>
      %reduce_max3A_953 = arith.constant true
      %reduce_max3A_954 = vector.broadcast %reduce_max3A_953 : i1 to vector<16xi1>
      %reduce_max3A_955 = tpu.scan <max>, %select_n3A_948 masked %reduce_max3A_954 : vector<16xf32>, vector<16xi1> -> vector<16xf32>
      %reduce_max3A_956 = vector.extract %reduce_max3A_955[15] : f32 from vector<16xf32>
      %max3A_957 = arith.maximumf %reduce_max3A_952, %reduce_max3A_956 : f32
      %sub3A_958 = vector.broadcast %max3A_957 : f32 to vector<16xf32>
      %sub3A_959 = arith.subf %mul3A_945, %sub3A_958 : vector<16xf32>
      %exp3A_960 = math.exp %sub3A_959 : vector<16xf32>
      %sub3A_961 = vector.broadcast %max3A_957 : f32 to vector<16xf32>
      %sub3A_962 = arith.subf %select_n3A_948, %sub3A_961 : vector<16xf32>
      %exp3A_963 = math.exp %sub3A_962 : vector<16xf32>
      %reduce_sum3A_964 = arith.constant true
      %reduce_sum3A_965 = vector.broadcast %reduce_sum3A_964 : i1 to vector<16xi1>
      %reduce_sum3A_966 = tpu.scan <sum>, %exp3A_960 masked %reduce_sum3A_965 : vector<16xf32>, vector<16xi1> -> vector<16xf32>
      %reduce_sum3A_967 = vector.extract %reduce_sum3A_966[15] : f32 from vector<16xf32>
      %reduce_sum3A_968 = arith.constant true
      %reduce_sum3A_969 = vector.broadcast %reduce_sum3A_968 : i1 to vector<16xi1>
      %reduce_sum3A_970 = tpu.scan <sum>, %exp3A_963 masked %reduce_sum3A_969 : vector<16xf32>, vector<16xi1> -> vector<16xf32>
      %reduce_sum3A_971 = vector.extract %reduce_sum3A_970[15] : f32 from vector<16xf32>
      %add3A_972 = arith.addf %reduce_sum3A_967, %reduce_sum3A_971 : f32
      %div3A_973 = vector.broadcast %add3A_972 : f32 to vector<16xf32>
      %div3A_974 = arith.divf %exp3A_960, %div3A_973 : vector<16xf32>
      %div3A_975 = vector.broadcast %add3A_972 : f32 to vector<16xf32>
      %div3A_976 = arith.divf %exp3A_963, %div3A_975 : vector<16xf32>
      %swap3A_977 = arith.constant 0 : index
      %swap3A_978 = tpu.vector_load %arg11[%swap3A_977] {strides = array<i32>} : memref<32xf32, #tpu.memory_space<vmem>>, vector<16xf32>,
      tpu.vector_store %arg11[%swap3A_977], %div3A_974 {strides = array<i32>} : memref<32xf32, #tpu.memory_space<vmem>>, vector<16xf32>,
      %swap3A_979 = arith.constant 16 : index
      %swap3A_980 = tpu.vector_load %arg11[%swap3A_979] {strides = array<i32>} : memref<32xf32, #tpu.memory_space<vmem>>, vector<16xf32>,
      tpu.vector_store %arg11[%swap3A_979], %div3A_976 {strides = array<i32>} : memref<32xf32, #tpu.memory_space<vmem>>, vector<16xf32>,
      %swap3A_981 = arith.constant 252 : index
      %swap3A_982 = tpu.vector_load %arg12[%swap3A_981] {strides = array<i32>} : memref<336xf32, #tpu.memory_space<vmem>>, vector<16xf32>,
      tpu.vector_store %arg12[%swap3A_981], %div3A_974 {strides = array<i32>} : memref<336xf32, #tpu.memory_space<vmem>>, vector<16xf32>,
      %get3A_983 = arith.constant 5 : index
      %get3A_984 = tpu.vector_load %arg11[%get3A_983] {strides = array<i32>} : memref<32xf32, #tpu.memory_space<vmem>>, vector<16xf32>,
      %swap3A_985 = arith.constant 257 : index
      %swap3A_986 = tpu.vector_load %arg12[%swap3A_985] {strides = array<i32>} : memref<336xf32, #tpu.memory_space<vmem>>, vector<16xf32>,
      tpu.vector_store %arg12[%swap3A_985], %get3A_984 {strides = array<i32>} : memref<336xf32, #tpu.memory_space<vmem>>, vector<16xf32>,
      %slice3A_987 = vector.extract_strided_slice %mul3A_400 {offsets = [13], sizes = [1], strides = [1]} : vector<16xf32> to vector<1xf32>
      %squeeze3A_988 = vector.extract %slice3A_987[0] : f32 from vector<1xf32>
      %mul3A_989 = vector.broadcast %squeeze3A_988 : f32 to vector<16xf32>
      %mul3A_990 = arith.mulf %mul3A_989, %get3A_401 : vector<16xf32>
      %mul3A_991 = vector.broadcast %squeeze3A_988 : f32 to vector<16xf32>
      %mul3A_992 = arith.mulf %mul3A_991, %get3A_403 : vector<16xf32>
      %select_n3A_993 = arith.select %ge3A_408, %broadcast_in_dim3A_410, %mul3A_992 : vector<16xi1>, vector<16xf32>
      %reduce_max3A_994 = arith.constant true
      %reduce_max3A_995 = vector.broadcast %reduce_max3A_994 : i1 to vector<16xi1>
      %reduce_max3A_996 = tpu.scan <max>, %mul3A_990 masked %reduce_max3A_995 : vector<16xf32>, vector<16xi1> -> vector<16xf32>
      %reduce_max3A_997 = vector.extract %reduce_max3A_996[15] : f32 from vector<16xf32>
      %reduce_max3A_998 = arith.constant true
      %reduce_max3A_999 = vector.broadcast %reduce_max3A_998 : i1 to vector<16xi1>
      %reduce_max3A_1000 = tpu.scan <max>, %select_n3A_993 masked %reduce_max3A_999 : vector<16xf32>, vector<16xi1> -> vector<16xf32>
      %reduce_max3A_1001 = vector.extract %reduce_max3A_1000[15] : f32 from vector<16xf32>
      %max3A_1002 = arith.maximumf %reduce_max3A_997, %reduce_max3A_1001 : f32
      %sub3A_1003 = vector.broadcast %max3A_1002 : f32 to vector<16xf32>
      %sub3A_1004 = arith.subf %mul3A_990, %sub3A_1003 : vector<16xf32>
      %exp3A_1005 = math.exp %sub3A_1004 : vector<16xf32>
      %sub3A_1006 = vector.broadcast %max3A_1002 : f32 to vector<16xf32>
      %sub3A_1007 = arith.subf %select_n3A_993, %sub3A_1006 : vector<16xf32>
      %exp3A_1008 = math.exp %sub3A_1007 : vector<16xf32>
      %reduce_sum3A_1009 = arith.constant true
      %reduce_sum3A_1010 = vector.broadcast %reduce_sum3A_1009 : i1 to vector<16xi1>
      %reduce_sum3A_1011 = tpu.scan <sum>, %exp3A_1005 masked %reduce_sum3A_1010 : vector<16xf32>, vector<16xi1> -> vector<16xf32>
      %reduce_sum3A_1012 = vector.extract %reduce_sum3A_1011[15] : f32 from vector<16xf32>
      %reduce_sum3A_1013 = arith.constant true
      %reduce_sum3A_1014 = vector.broadcast %reduce_sum3A_1013 : i1 to vector<16xi1>
      %reduce_sum3A_1015 = tpu.scan <sum>, %exp3A_1008 masked %reduce_sum3A_1014 : vector<16xf32>, vector<16xi1> -> vector<16xf32>
      %reduce_sum3A_1016 = vector.extract %reduce_sum3A_1015[15] : f32 from vector<16xf32>
      %add3A_1017 = arith.addf %reduce_sum3A_1012, %reduce_sum3A_1016 : f32
      %div3A_1018 = vector.broadcast %add3A_1017 : f32 to vector<16xf32>
      %div3A_1019 = arith.divf %exp3A_1005, %div3A_1018 : vector<16xf32>
      %div3A_1020 = vector.broadcast %add3A_1017 : f32 to vector<16xf32>
      %div3A_1021 = arith.divf %exp3A_1008, %div3A_1020 : vector<16xf32>
      %swap3A_1022 = arith.constant 0 : index
      %swap3A_1023 = tpu.vector_load %arg11[%swap3A_1022] {strides = array<i32>} : memref<32xf32, #tpu.memory_space<vmem>>, vector<16xf32>,
      tpu.vector_store %arg11[%swap3A_1022], %div3A_1019 {strides = array<i32>} : memref<32xf32, #tpu.memory_space<vmem>>, vector<16xf32>,
      %swap3A_1024 = arith.constant 16 : index
      %swap3A_1025 = tpu.vector_load %arg11[%swap3A_1024] {strides = array<i32>} : memref<32xf32, #tpu.memory_space<vmem>>, vector<16xf32>,
      tpu.vector_store %arg11[%swap3A_1024], %div3A_1021 {strides = array<i32>} : memref<32xf32, #tpu.memory_space<vmem>>, vector<16xf32>,
      %swap3A_1026 = arith.constant 273 : index
      %swap3A_1027 = tpu.vector_load %arg12[%swap3A_1026] {strides = array<i32>} : memref<336xf32, #tpu.memory_space<vmem>>, vector<16xf32>,
      tpu.vector_store %arg12[%swap3A_1026], %div3A_1019 {strides = array<i32>} : memref<336xf32, #tpu.memory_space<vmem>>, vector<16xf32>,
      %get3A_1028 = arith.constant 5 : index
      %get3A_1029 = tpu.vector_load %arg11[%get3A_1028] {strides = array<i32>} : memref<32xf32, #tpu.memory_space<vmem>>, vector<16xf32>,
      %swap3A_1030 = arith.constant 278 : index
      %swap3A_1031 = tpu.vector_load %arg12[%swap3A_1030] {strides = array<i32>} : memref<336xf32, #tpu.memory_space<vmem>>, vector<16xf32>,
      tpu.vector_store %arg12[%swap3A_1030], %get3A_1029 {strides = array<i32>} : memref<336xf32, #tpu.memory_space<vmem>>, vector<16xf32>,
      %slice3A_1032 = vector.extract_strided_slice %mul3A_400 {offsets = [14], sizes = [1], strides = [1]} : vector<16xf32> to vector<1xf32>
      %squeeze3A_1033 = vector.extract %slice3A_1032[0] : f32 from vector<1xf32>
      %mul3A_1034 = vector.broadcast %squeeze3A_1033 : f32 to vector<16xf32>
      %mul3A_1035 = arith.mulf %mul3A_1034, %get3A_401 : vector<16xf32>
      %mul3A_1036 = vector.broadcast %squeeze3A_1033 : f32 to vector<16xf32>
      %mul3A_1037 = arith.mulf %mul3A_1036, %get3A_403 : vector<16xf32>
      %select_n3A_1038 = arith.select %ge3A_408, %broadcast_in_dim3A_410, %mul3A_1037 : vector<16xi1>, vector<16xf32>
      %reduce_max3A_1039 = arith.constant true
      %reduce_max3A_1040 = vector.broadcast %reduce_max3A_1039 : i1 to vector<16xi1>
      %reduce_max3A_1041 = tpu.scan <max>, %mul3A_1035 masked %reduce_max3A_1040 : vector<16xf32>, vector<16xi1> -> vector<16xf32>
      %reduce_max3A_1042 = vector.extract %reduce_max3A_1041[15] : f32 from vector<16xf32>
      %reduce_max3A_1043 = arith.constant true
      %reduce_max3A_1044 = vector.broadcast %reduce_max3A_1043 : i1 to vector<16xi1>
      %reduce_max3A_1045 = tpu.scan <max>, %select_n3A_1038 masked %reduce_max3A_1044 : vector<16xf32>, vector<16xi1> -> vector<16xf32>
      %reduce_max3A_1046 = vector.extract %reduce_max3A_1045[15] : f32 from vector<16xf32>
      %max3A_1047 = arith.maximumf %reduce_max3A_1042, %reduce_max3A_1046 : f32
      %sub3A_1048 = vector.broadcast %max3A_1047 : f32 to vector<16xf32>
      %sub3A_1049 = arith.subf %mul3A_1035, %sub3A_1048 : vector<16xf32>
      %exp3A_1050 = math.exp %sub3A_1049 : vector<16xf32>
      %sub3A_1051 = vector.broadcast %max3A_1047 : f32 to vector<16xf32>
      %sub3A_1052 = arith.subf %select_n3A_1038, %sub3A_1051 : vector<16xf32>
      %exp3A_1053 = math.exp %sub3A_1052 : vector<16xf32>
      %reduce_sum3A_1054 = arith.constant true
      %reduce_sum3A_1055 = vector.broadcast %reduce_sum3A_1054 : i1 to vector<16xi1>
      %reduce_sum3A_1056 = tpu.scan <sum>, %exp3A_1050 masked %reduce_sum3A_1055 : vector<16xf32>, vector<16xi1> -> vector<16xf32>
      %reduce_sum3A_1057 = vector.extract %reduce_sum3A_1056[15] : f32 from vector<16xf32>
      %reduce_sum3A_1058 = arith.constant true
      %reduce_sum3A_1059 = vector.broadcast %reduce_sum3A_1058 : i1 to vector<16xi1>
      %reduce_sum3A_1060 = tpu.scan <sum>, %exp3A_1053 masked %reduce_sum3A_1059 : vector<16xf32>, vector<16xi1> -> vector<16xf32>
      %reduce_sum3A_1061 = vector.extract %reduce_sum3A_1060[15] : f32 from vector<16xf32>
      %add3A_1062 = arith.addf %reduce_sum3A_1057, %reduce_sum3A_1061 : f32
      %div3A_1063 = vector.broadcast %add3A_1062 : f32 to vector<16xf32>
      %div3A_1064 = arith.divf %exp3A_1050, %div3A_1063 : vector<16xf32>
      %div3A_1065 = vector.broadcast %add3A_1062 : f32 to vector<16xf32>
      %div3A_1066 = arith.divf %exp3A_1053, %div3A_1065 : vector<16xf32>
      %swap3A_1067 = arith.constant 0 : index
      %swap3A_1068 = tpu.vector_load %arg11[%swap3A_1067] {strides = array<i32>} : memref<32xf32, #tpu.memory_space<vmem>>, vector<16xf32>,
      tpu.vector_store %arg11[%swap3A_1067], %div3A_1064 {strides = array<i32>} : memref<32xf32, #tpu.memory_space<vmem>>, vector<16xf32>,
      %swap3A_1069 = arith.constant 16 : index
      %swap3A_1070 = tpu.vector_load %arg11[%swap3A_1069] {strides = array<i32>} : memref<32xf32, #tpu.memory_space<vmem>>, vector<16xf32>,
      tpu.vector_store %arg11[%swap3A_1069], %div3A_1066 {strides = array<i32>} : memref<32xf32, #tpu.memory_space<vmem>>, vector<16xf32>,
      %swap3A_1071 = arith.constant 294 : index
      %swap3A_1072 = tpu.vector_load %arg12[%swap3A_1071] {strides = array<i32>} : memref<336xf32, #tpu.memory_space<vmem>>, vector<16xf32>,
      tpu.vector_store %arg12[%swap3A_1071], %div3A_1064 {strides = array<i32>} : memref<336xf32, #tpu.memory_space<vmem>>, vector<16xf32>,
      %get3A_1073 = arith.constant 5 : index
      %get3A_1074 = tpu.vector_load %arg11[%get3A_1073] {strides = array<i32>} : memref<32xf32, #tpu.memory_space<vmem>>, vector<16xf32>,
      %swap3A_1075 = arith.constant 299 : index
      %swap3A_1076 = tpu.vector_load %arg12[%swap3A_1075] {strides = array<i32>} : memref<336xf32, #tpu.memory_space<vmem>>, vector<16xf32>,
      tpu.vector_store %arg12[%swap3A_1075], %get3A_1074 {strides = array<i32>} : memref<336xf32, #tpu.memory_space<vmem>>, vector<16xf32>,
      %slice3A_1077 = vector.extract_strided_slice %mul3A_400 {offsets = [15], sizes = [1], strides = [1]} : vector<16xf32> to vector<1xf32>
      %squeeze3A_1078 = vector.extract %slice3A_1077[0] : f32 from vector<1xf32>
      %mul3A_1079 = vector.broadcast %squeeze3A_1078 : f32 to vector<16xf32>
      %mul3A_1080 = arith.mulf %mul3A_1079, %get3A_401 : vector<16xf32>
      %mul3A_1081 = vector.broadcast %squeeze3A_1078 : f32 to vector<16xf32>
      %mul3A_1082 = arith.mulf %mul3A_1081, %get3A_403 : vector<16xf32>
      %select_n3A_1083 = arith.select %ge3A_408, %broadcast_in_dim3A_410, %mul3A_1082 : vector<16xi1>, vector<16xf32>
      %reduce_max3A_1084 = arith.constant true
      %reduce_max3A_1085 = vector.broadcast %reduce_max3A_1084 : i1 to vector<16xi1>
      %reduce_max3A_1086 = tpu.scan <max>, %mul3A_1080 masked %reduce_max3A_1085 : vector<16xf32>, vector<16xi1> -> vector<16xf32>
      %reduce_max3A_1087 = vector.extract %reduce_max3A_1086[15] : f32 from vector<16xf32>
      %reduce_max3A_1088 = arith.constant true
      %reduce_max3A_1089 = vector.broadcast %reduce_max3A_1088 : i1 to vector<16xi1>
      %reduce_max3A_1090 = tpu.scan <max>, %select_n3A_1083 masked %reduce_max3A_1089 : vector<16xf32>, vector<16xi1> -> vector<16xf32>
      %reduce_max3A_1091 = vector.extract %reduce_max3A_1090[15] : f32 from vector<16xf32>
      %max3A_1092 = arith.maximumf %reduce_max3A_1087, %reduce_max3A_1091 : f32
      %sub3A_1093 = vector.broadcast %max3A_1092 : f32 to vector<16xf32>
      %sub3A_1094 = arith.subf %mul3A_1080, %sub3A_1093 : vector<16xf32>
      %exp3A_1095 = math.exp %sub3A_1094 : vector<16xf32>
      %sub3A_1096 = vector.broadcast %max3A_1092 : f32 to vector<16xf32>
      %sub3A_1097 = arith.subf %select_n3A_1083, %sub3A_1096 : vector<16xf32>
      %exp3A_1098 = math.exp %sub3A_1097 : vector<16xf32>
      %reduce_sum3A_1099 = arith.constant true
      %reduce_sum3A_1100 = vector.broadcast %reduce_sum3A_1099 : i1 to vector<16xi1>
      %reduce_sum3A_1101 = tpu.scan <sum>, %exp3A_1095 masked %reduce_sum3A_1100 : vector<16xf32>, vector<16xi1> -> vector<16xf32>
      %reduce_sum3A_1102 = vector.extract %reduce_sum3A_1101[15] : f32 from vector<16xf32>
      %reduce_sum3A_1103 = arith.constant true
      %reduce_sum3A_1104 = vector.broadcast %reduce_sum3A_1103 : i1 to vector<16xi1>
      %reduce_sum3A_1105 = tpu.scan <sum>, %exp3A_1098 masked %reduce_sum3A_1104 : vector<16xf32>, vector<16xi1> -> vector<16xf32>
      %reduce_sum3A_1106 = vector.extract %reduce_sum3A_1105[15] : f32 from vector<16xf32>
      %add3A_1107 = arith.addf %reduce_sum3A_1102, %reduce_sum3A_1106 : f32
      %div3A_1108 = vector.broadcast %add3A_1107 : f32 to vector<16xf32>
      %div3A_1109 = arith.divf %exp3A_1095, %div3A_1108 : vector<16xf32>
      %div3A_1110 = vector.broadcast %add3A_1107 : f32 to vector<16xf32>
      %div3A_1111 = arith.divf %exp3A_1098, %div3A_1110 : vector<16xf32>
      %swap3A_1112 = arith.constant 0 : index
      %swap3A_1113 = tpu.vector_load %arg11[%swap3A_1112] {strides = array<i32>} : memref<32xf32, #tpu.memory_space<vmem>>, vector<16xf32>,
      tpu.vector_store %arg11[%swap3A_1112], %div3A_1109 {strides = array<i32>} : memref<32xf32, #tpu.memory_space<vmem>>, vector<16xf32>,
      %swap3A_1114 = arith.constant 16 : index
      %swap3A_1115 = tpu.vector_load %arg11[%swap3A_1114] {strides = array<i32>} : memref<32xf32, #tpu.memory_space<vmem>>, vector<16xf32>,
      tpu.vector_store %arg11[%swap3A_1114], %div3A_1111 {strides = array<i32>} : memref<32xf32, #tpu.memory_space<vmem>>, vector<16xf32>,
      %swap3A_1116 = arith.constant 315 : index
      %swap3A_1117 = tpu.vector_load %arg12[%swap3A_1116] {strides = array<i32>} : memref<336xf32, #tpu.memory_space<vmem>>, vector<16xf32>,
      tpu.vector_store %arg12[%swap3A_1116], %div3A_1109 {strides = array<i32>} : memref<336xf32, #tpu.memory_space<vmem>>, vector<16xf32>,
      %get3A_1118 = arith.constant 5 : index
      %get3A_1119 = tpu.vector_load %arg11[%get3A_1118] {strides = array<i32>} : memref<32xf32, #tpu.memory_space<vmem>>, vector<16xf32>,
      %swap3A_1120 = arith.constant 320 : index
      %swap3A_1121 = tpu.vector_load %arg12[%swap3A_1120] {strides = array<i32>} : memref<336xf32, #tpu.memory_space<vmem>>, vector<16xf32>,
      tpu.vector_store %arg12[%swap3A_1120], %get3A_1119 {strides = array<i32>} : memref<336xf32, #tpu.memory_space<vmem>>, vector<16xf32>,
      %mul3A_1122 = arith.constant 21 : i32
      %mul3A_1123 = arith.muli %mul3A_2, %mul3A_1122 : i32
      "tpu.region"() ({
        %run_scoped3A = tpu.sem_alloc : memref<!tpu.dma_semaphore, #tpu.memory_space<semaphore_mem>>
        %dma_start3A = tpu.memref_slice %arg6[%mul3A_1123] : memref<2688xf32, #tpu.memory_space<hbm>> -> memref<336xf32, #tpu.memory_space<hbm>>
        %dma_start3A_1124 = tpu.memref_slice %arg6[%mul3A_1123] : memref<2688xf32, #tpu.memory_space<hbm>> -> memref<336xf32, #tpu.memory_space<hbm>>
        tpu.enqueue_dma source(%arg12 : memref<336xf32, #tpu.memory_space<vmem>>) target(%dma_start3A_1124 : memref<336xf32, #tpu.memory_space<hbm>>) target_semaphore(%run_scoped3A : memref<!tpu.dma_semaphore, #tpu.memory_space<semaphore_mem>>)
        %dma_wait3A = tpu.memref_slice %arg6[%mul3A_1123] : memref<2688xf32, #tpu.memory_space<hbm>> -> memref<336xf32, #tpu.memory_space<hbm>>
        %dma_wait3A_1125 = tpu.memref_slice %arg6[%mul3A_1123] : memref<2688xf32, #tpu.memory_space<hbm>> -> memref<336xf32, #tpu.memory_space<hbm>>
        tpu.wait_dma2 semaphore(%run_scoped3A : memref<!tpu.dma_semaphore, #tpu.memory_space<semaphore_mem>>) src(%arg12 : memref<336xf32, #tpu.memory_space<vmem>>) dst(%dma_wait3A_1125 : memref<336xf32, #tpu.memory_space<hbm>>)
        tpu.yield
      }) : () -> ()
    } else {
    }
    return
  }
}

module attributes {stable_mosaic.version = 14 : i64} {
  func.func @_pc_body(%arg0: memref<8x1000xf32, #tpu.memory_space<vmem>>, %arg1: memref<1x128xf32, #tpu.memory_space<vmem>>) attributes {dimension_semantics = [], scalar_prefetch = 0 : i64, scratch_operands = 0 : i64, tpu.core_type = #tpu.core_type<tc>} {
    %get3A = arith.constant 0 : index
    %get3A_0 = arith.constant 0 : index
    %get3A_1 = vector.load %arg0[%get3A, %get3A_0] : memref<8x1000xf32, #tpu.memory_space<vmem>>, vector<8x1000xf32>
    %jit3A = arith.constant 0.000000e+00 : f32
    %jit3A_2 = arith.constant 1.000000e+00 : f32
    %max3A = vector.broadcast %jit3A : f32 to vector<8x1000xf32>
    %max3A_3 = arith.maximumf %max3A, %get3A_1 : vector<8x1000xf32>
    %min3A = vector.broadcast %jit3A_2 : f32 to vector<8x1000xf32>
    %min3A_4 = arith.minimumf %min3A, %max3A_3 : vector<8x1000xf32>
    %bitcast_convert_type3A = tpu.bitcast %min3A_4 : vector<8x1000xf32> -> vector<8x1000xi32>
    %scan3A = arith.constant 0 : i32
    %scan3A_5 = arith.constant 1065353217 : i32
    %scan3A_6 = arith.constant 0 : i32
    %scan3A_7 = arith.constant 31 : i32
    %scan3A_8 = arith.addi %scan3A_6, %scan3A_7 : i32
    %scan3A_9 = arith.constant 1 : i32
    %scan3A_10:2 = scf.for %scan3A_62 = %scan3A_6 to %scan3A_8 step %scan3A_9 iter_args(%scan3A_63 = %scan3A, %scan3A_64 = %scan3A_5) -> (i32, i32)  : i32 {
      %sub3A_65 = arith.subi %scan3A_64, %scan3A_63 : i32
      %jit3A_66 = arith.constant 2 : i32
      %div3A = arith.divsi %sub3A_65, %jit3A_66 : i32
      %sign3A = arith.constant 0 : i32
      %sign3A_67 = arith.cmpi sgt, %sub3A_65, %sign3A : i32
      %sign3A_68 = arith.extui %sign3A_67 : i1 to i32
      %sign3A_69 = arith.constant 0 : i32
      %sign3A_70 = arith.cmpi slt, %sub3A_65, %sign3A_69 : i32
      %sign3A_71 = arith.extui %sign3A_70 : i1 to i32
      %sign3A_72 = arith.subi %sign3A_68, %sign3A_71 : i32
      %sign3A_73 = arith.constant 0 : i32
      %sign3A_74 = arith.cmpi sgt, %jit3A_66, %sign3A_73 : i32
      %sign3A_75 = arith.extui %sign3A_74 : i1 to i32
      %sign3A_76 = arith.constant 0 : i32
      %sign3A_77 = arith.cmpi slt, %jit3A_66, %sign3A_76 : i32
      %sign3A_78 = arith.extui %sign3A_77 : i1 to i32
      %sign3A_79 = arith.subi %sign3A_75, %sign3A_78 : i32
      %ne3A_80 = arith.cmpi ne, %sign3A_72, %sign3A_79 : i32
      %rem3A_81 = arith.remsi %sub3A_65, %jit3A_66 : i32
      %ne3A_82 = arith.constant 0 : i32
      %ne3A_83 = arith.cmpi ne, %rem3A_81, %ne3A_82 : i32
      %and3A_84 = arith.andi %ne3A_80, %ne3A_83 : i1
      %sub3A_85 = arith.constant 1 : i32
      %sub3A_86 = arith.subi %div3A, %sub3A_85 : i32
      %select_n3A_87 = arith.select %and3A_84, %sub3A_86, %div3A : i32
      %add3A_88 = arith.addi %scan3A_63, %select_n3A_87 : i32
      %ge3A = vector.broadcast %add3A_88 : i32 to vector<8x1000xi32>
      %ge3A_89 = arith.cmpi sge, %bitcast_convert_type3A, %ge3A : vector<8x1000xi32>
      %convert_element_type3A_90 = arith.extui %ge3A_89 : vector<8x1000xi1> to vector<8x1000xi32>
      %reduce_sum3A_91 = vector.shape_cast %convert_element_type3A_90 : vector<8x1000xi32> to vector<1x8x1000xi32>
      %reduce_sum3A_92 = arith.constant dense<0> : vector<1xi32>
      %reduce_sum3A_93 = vector.multi_reduction <add>, %reduce_sum3A_91, %reduce_sum3A_92 [1, 2] : vector<1x8x1000xi32> to vector<1xi32>
      %reduce_sum3A_94 = vector.shape_cast %reduce_sum3A_93 : vector<1xi32> to vector<1x1x1xi32>
      %reduce_sum3A_95 = vector.extract %reduce_sum3A_94[0, 0, 0] : i32 from vector<1x1x1xi32>
      %ge3A_96 = arith.constant 150 : i32
      %ge3A_97 = arith.cmpi sge, %reduce_sum3A_95, %ge3A_96 : i32
      %select_n3A_98 = arith.select %ge3A_97, %add3A_88, %scan3A_63 : i32
      %select_n3A_99 = arith.select %ge3A_97, %scan3A_64, %add3A_88 : i32
      scf.yield %select_n3A_98, %select_n3A_99 : i32, i32
    }
    %gt3A = vector.broadcast %scan3A_10#0 : i32 to vector<8x1000xi32>
    %gt3A_11 = arith.cmpi sgt, %bitcast_convert_type3A, %gt3A : vector<8x1000xi32>
    %convert_element_type3A = arith.extui %gt3A_11 : vector<8x1000xi1> to vector<8x1000xi32>
    %reduce_sum3A = vector.shape_cast %convert_element_type3A : vector<8x1000xi32> to vector<1x8x1000xi32>
    %reduce_sum3A_12 = arith.constant dense<0> : vector<1xi32>
    %reduce_sum3A_13 = vector.multi_reduction <add>, %reduce_sum3A, %reduce_sum3A_12 [1, 2] : vector<1x8x1000xi32> to vector<1xi32>
    %reduce_sum3A_14 = vector.shape_cast %reduce_sum3A_13 : vector<1xi32> to vector<1x1x1xi32>
    %reduce_sum3A_15 = vector.extract %reduce_sum3A_14[0, 0, 0] : i32 from vector<1x1x1xi32>
    %sub3A = arith.constant 150 : i32
    %sub3A_16 = arith.subi %sub3A, %reduce_sum3A_15 : i32
    %eq3A = vector.broadcast %scan3A_10#0 : i32 to vector<8x1000xi32>
    %eq3A_17 = arith.cmpi eq, %bitcast_convert_type3A, %eq3A : vector<8x1000xi32>
    %iota3A = tpu.iota {dimensions = array<i32: 0>} : vector<8x1000xi32>
    %iota3A_18 = tpu.iota {dimensions = array<i32: 1>} : vector<8x1000xi32>
    %mul3A = arith.constant 1000 : i32
    %mul3A_19 = vector.broadcast %mul3A : i32 to vector<8x1000xi32>
    %mul3A_20 = arith.muli %iota3A, %mul3A_19 : vector<8x1000xi32>
    %add3A = arith.addi %mul3A_20, %iota3A_18 : vector<8x1000xi32>
    %scan3A_21 = arith.constant -1 : i32
    %scan3A_22 = arith.constant 7999 : i32
    %scan3A_23 = arith.constant 0 : i32
    %scan3A_24 = arith.constant 13 : i32
    %scan3A_25 = arith.addi %scan3A_23, %scan3A_24 : i32
    %scan3A_26 = arith.constant 1 : i32
    %scan3A_27:2 = scf.for %scan3A_62 = %scan3A_23 to %scan3A_25 step %scan3A_26 iter_args(%scan3A_63 = %scan3A_21, %scan3A_64 = %scan3A_22) -> (i32, i32)  : i32 {
      %sub3A_65 = arith.subi %scan3A_64, %scan3A_63 : i32
      %jit3A_66 = arith.constant 2 : i32
      %div3A = arith.divsi %sub3A_65, %jit3A_66 : i32
      %sign3A = arith.constant 0 : i32
      %sign3A_67 = arith.cmpi sgt, %sub3A_65, %sign3A : i32
      %sign3A_68 = arith.extui %sign3A_67 : i1 to i32
      %sign3A_69 = arith.constant 0 : i32
      %sign3A_70 = arith.cmpi slt, %sub3A_65, %sign3A_69 : i32
      %sign3A_71 = arith.extui %sign3A_70 : i1 to i32
      %sign3A_72 = arith.subi %sign3A_68, %sign3A_71 : i32
      %sign3A_73 = arith.constant 0 : i32
      %sign3A_74 = arith.cmpi sgt, %jit3A_66, %sign3A_73 : i32
      %sign3A_75 = arith.extui %sign3A_74 : i1 to i32
      %sign3A_76 = arith.constant 0 : i32
      %sign3A_77 = arith.cmpi slt, %jit3A_66, %sign3A_76 : i32
      %sign3A_78 = arith.extui %sign3A_77 : i1 to i32
      %sign3A_79 = arith.subi %sign3A_75, %sign3A_78 : i32
      %ne3A_80 = arith.cmpi ne, %sign3A_72, %sign3A_79 : i32
      %rem3A_81 = arith.remsi %sub3A_65, %jit3A_66 : i32
      %ne3A_82 = arith.constant 0 : i32
      %ne3A_83 = arith.cmpi ne, %rem3A_81, %ne3A_82 : i32
      %and3A_84 = arith.andi %ne3A_80, %ne3A_83 : i1
      %sub3A_85 = arith.constant 1 : i32
      %sub3A_86 = arith.subi %div3A, %sub3A_85 : i32
      %select_n3A_87 = arith.select %and3A_84, %sub3A_86, %div3A : i32
      %add3A_88 = arith.addi %scan3A_63, %select_n3A_87 : i32
      %le3A_89 = vector.broadcast %add3A_88 : i32 to vector<8x1000xi32>
      %le3A_90 = arith.cmpi sle, %add3A, %le3A_89 : vector<8x1000xi32>
      %and3A_91 = arith.andi %eq3A_17, %le3A_90 : vector<8x1000xi1>
      %convert_element_type3A_92 = arith.extui %and3A_91 : vector<8x1000xi1> to vector<8x1000xi32>
      %reduce_sum3A_93 = vector.shape_cast %convert_element_type3A_92 : vector<8x1000xi32> to vector<1x8x1000xi32>
      %reduce_sum3A_94 = arith.constant dense<0> : vector<1xi32>
      %reduce_sum3A_95 = vector.multi_reduction <add>, %reduce_sum3A_93, %reduce_sum3A_94 [1, 2] : vector<1x8x1000xi32> to vector<1xi32>
      %reduce_sum3A_96 = vector.shape_cast %reduce_sum3A_95 : vector<1xi32> to vector<1x1x1xi32>
      %reduce_sum3A_97 = vector.extract %reduce_sum3A_96[0, 0, 0] : i32 from vector<1x1x1xi32>
      %ge3A = arith.cmpi sge, %reduce_sum3A_97, %sub3A_16 : i32
      %select_n3A_98 = arith.select %ge3A, %scan3A_63, %add3A_88 : i32
      %select_n3A_99 = arith.select %ge3A, %add3A_88, %scan3A_64 : i32
      scf.yield %select_n3A_98, %select_n3A_99 : i32, i32
    }
    %gt3A_28 = vector.broadcast %scan3A_10#0 : i32 to vector<8x1000xi32>
    %gt3A_29 = arith.cmpi sgt, %bitcast_convert_type3A, %gt3A_28 : vector<8x1000xi32>
    %le3A = vector.broadcast %scan3A_27#1 : i32 to vector<8x1000xi32>
    %le3A_30 = arith.cmpi sle, %add3A, %le3A : vector<8x1000xi32>
    %and3A = arith.andi %eq3A_17, %le3A_30 : vector<8x1000xi1>
    %or3A = arith.ori %gt3A_29, %and3A : vector<8x1000xi1>
    %jit3A_31 = arith.constant 0.000000e+00 : f32
    %broadcast_in_dim3A = vector.broadcast %jit3A_31 : f32 to vector<8x1000xf32>
    %select_n3A = arith.select %or3A, %min3A_4, %broadcast_in_dim3A : vector<8x1000xi1>, vector<8x1000xf32>
    %reduce_sum3A_32 = arith.constant dense<0.000000e+00> : vector<1000xf32>
    %reduce_sum3A_33 = vector.multi_reduction <add>, %select_n3A, %reduce_sum3A_32 [0] : vector<8x1000xf32> to vector<1000xf32>
    %broadcast_in_dim3A_34 = vector.shape_cast %reduce_sum3A_33 : vector<1000xf32> to vector<1x1000xf32>
    %iota3A_35 = tpu.iota {dimensions = array<i32: 0>} : vector<1000x128xi32>
    %jit3A_36 = arith.constant 20 : i32
    %eq3A_37 = arith.constant 0 : i32
    %eq3A_38 = arith.cmpi eq, %jit3A_36, %eq3A_37 : i32
    %jit3A_39 = arith.constant 1 : i32
    %select_n3A_40 = arith.select %eq3A_38, %jit3A_39, %jit3A_36 : i32
    %rem3A = vector.broadcast %select_n3A_40 : i32 to vector<1000x128xi32>
    %rem3A_41 = arith.remsi %iota3A_35, %rem3A : vector<1000x128xi32>
    %ne3A = arith.constant 0 : i32
    %ne3A_42 = vector.broadcast %ne3A : i32 to vector<1000x128xi32>
    %ne3A_43 = arith.cmpi ne, %rem3A_41, %ne3A_42 : vector<1000x128xi32>
    %lt3A = arith.constant 0 : i32
    %lt3A_44 = vector.broadcast %lt3A : i32 to vector<1000x128xi32>
    %lt3A_45 = arith.cmpi slt, %rem3A_41, %lt3A_44 : vector<1000x128xi32>
    %lt3A_46 = arith.constant 0 : i32
    %lt3A_47 = arith.cmpi slt, %select_n3A_40, %lt3A_46 : i32
    %ne3A_48 = vector.broadcast %lt3A_47 : i1 to vector<1000x128xi1>
    %ne3A_49 = vector.broadcast %ne3A_48 : vector<1000x128xi1> to vector<1000x128xi1>
    %ne3A_50 = arith.xori %lt3A_45, %ne3A_49 : vector<1000x128xi1>
    %and3A_51 = arith.andi %ne3A_50, %ne3A_43 : vector<1000x128xi1>
    %add3A_52 = vector.broadcast %select_n3A_40 : i32 to vector<1000x128xi32>
    %add3A_53 = arith.addi %rem3A_41, %add3A_52 : vector<1000x128xi32>
    %select_n3A_54 = arith.select %and3A_51, %add3A_53, %rem3A_41 : vector<1000x128xi1>, vector<1000x128xi32>
    %iota3A_55 = tpu.iota {dimensions = array<i32: 1>} : vector<1000x128xi32>
    %eq3A_56 = arith.cmpi eq, %select_n3A_54, %iota3A_55 : vector<1000x128xi32>
    %convert_element_type3A_57 = arith.extui %eq3A_56 : vector<1000x128xi1> to vector<1000x128xi32>
    %convert_element_type3A_58 = arith.sitofp %convert_element_type3A_57 : vector<1000x128xi32> to vector<1000x128xf32>
    %dot_general3A = arith.constant dense<0.000000e+00> : vector<1x128xf32>
    %dot_general3A_59 = tpu.matmul %broadcast_in_dim3A_34, %convert_element_type3A_58, %dot_general3A {dimension_numbers = #tpu.dot_dimension_numbers<[1], [0], [0], [1], [0, 0, 1, 1], [], []>, transpose_lhs_hint = false} : vector<1x1000xf32>, vector<1000x128xf32>, vector<1x128xf32> -> vector<1x128xf32>
    %swap3A = arith.constant 0 : index
    %swap3A_60 = arith.constant 0 : index
    %swap3A_61 = vector.load %arg1[%swap3A, %swap3A_60] : memref<1x128xf32, #tpu.memory_space<vmem>>, vector<1x128xf32>
    tpu.vector_store %arg1[%swap3A, %swap3A_60], %dot_general3A_59 {strides = array<i32>} : memref<1x128xf32, #tpu.memory_space<vmem>>, vector<1x128xf32>,
    return
  }
}

</mosaic_0001>

<sc_bundles>
// kernel: kernel.4.cloned.1.call-start
scs
__scs_entry_jumppad:
0x0: {  	(pc) =	sbr.rel $0x88, $3  }
0x1: {  	(tag) =	ssettag $0x0;
	lr =	simm.s32 $0x1  }
0x2: {  	[smem:$0x3F9E] =	sst lr;
	_ =	strace $0xD0000000  }
0x3: {  	_ = 	snop  }
0x4: {  	_ = 	snop  }
0x5: {  	_ = 	snop  }
0x6: {  	_ = 	snop  }
0x7: {  	_ = 	snop  }
__scs_overlays_trampoline_lowered:
0x8: {  	[smem:$0x3FAD] =	sst s0  }
0x9: {  	[smem:$0x3FAE] =	sst s1  }
0xa: {  	[smem:$0x3FAF] =	sst s2  }
0xb: {  	[smem:$0x3FB0] =	sst s3  }
0xc: {  	[smem:$0x3FB1] =	sst s4  }
0xd: {  	[smem:$0x3FB2] =	sst s5  }
0xe: {  	[smem:$0x3FB3] =	sst s6  }
0xf: {  	[smem:$0x3FB4] =	sst s7  }
0x10: {  	[smem:$0x3FB5] =	sst s8  }
0x11: {  	[smem:$0x3FB6] =	sst s9;
	s0 =	simm.s32 @!p0 $0x0  }
0x12: {  	s1 =	sld [smem:$0x3F9C];
	s0 =	simm.s32 @p0 $0x1  }
0x13: {  	[smem:$0x3FB7] =	sst s0;
	s0 =	simm.s32 @!p1 $0x0  }
0x14: {  	s2 =	sld [smem:$0x3F9B];
	s0 =	simm.s32 @p1 $0x1  }
0x15: {  	[smem:$0x3FB8] =	sst s0;
	s0 =	simm.s32 @!p2 $0x0  }
0x16: {  	s3 =	sld [smem:$0x3FDB];
	s0 =	simm.s32 @p2 $0x1  }
0x17: {  	s4 =	simm.s32 $0x1BF5;
	[smem:$0x3FBA] =	sst s0  }
0x18: {  	s0 =	sld [smem:$0x3F9D];
	_ =	swait.ge [sflag:s4], $0x0  }
0x19: {  	s7 =	sld [smem:$0x3F9E]  }
0x1a: {  	s8 =	sadd.s32 $0xFFFFE003, lr  }
0x1b: {  	s9 =	sadd.s32 $0xFFFFFEF7, lr;
	s5 =	simm.s32 $0xFFFFFFFF;
	p2 =	slt.u32 s8, $0xFFFFF086  }
0x1c: {  	p1 =	slt.u32 s9, $0xF7A;
	s5 =	simm.s32 @!p2 $0x0  }
0x1d: {  	s5 =	simm.s32 @p1 $0x1;
	p0 =	seq.s32 s7, s2  }
0x1e: {  	s7 =	smul.u32 @!p0 $0xF7A, s2;
	p2 =	seq.s32 @!p0 s5, $0x0  }
0x1f: {  	s9 =	smul.u32 $0xF7A, s1;
	s8 =	simm.s32 @!p0 $0x1BF5;
	p2 =	por !p2, p0  }
0x20: {  	[sflag:s8] =	ssyncset.s32 @!p0 $0xFFFFF086;
	s6 =	sadd.s32 @!p0 s3, s7;
	s7 =	simm.s32 @!p0 $0x108  }
0x21: {  	s3 =	sadd.s32 s3, s9;
	s6 =	sadd.s32 @!p0 $0x88, s6;
	s7 =	simm.s32 @p2 $0x1082  }
0x22: {  	[simem:s7], [sflag:s8] =	dma.local @!p0 [hbm:s6], $0xF7A  }
0x23: {  	s9 =	sor.u32 $0xD0000000, s2;
	s6 =	simm.s32 $0x108;
	_ =	swait.ge @!p0 [sflag:s8], $0x0  }
0x24: {  	s3 =	sadd.s32 $0x88, s3;
	s6 =	simm.s32 @!p1 $0x1082;
	[sflag:s4] =	ssyncset.s32 $0xFFFFF086  }
0x25: {  	[simem:s6], [sflag:s4] =	dma.local [hbm:s3], $0xF7A  }
0x26: {  	[smem:$0x3F9E] =	sst s1;
	(tag) =	ssettag s2;
	_ =	strace s9  }
0x27: {  	s1 =	sld [smem:$0x3FAE]  }
0x28: {  	s2 =	sld [smem:$0x3FAF]  }
0x29: {  	s4 =	sld [smem:$0x3FB1]  }
0x2a: {  	p0 =	seq.s32 s5, $0x0;
	s5 =	sld [smem:$0x3FB2]  }
0x2b: {  	s6 =	sld [smem:$0x3FB3]  }
0x2c: {  	s7 =	sld [smem:$0x3FB4]  }
0x2d: {  	s3 =	simm.s32 $0x108;
	s8 =	sld [smem:$0x3FB5]  }
0x2e: {  	s3 =	simm.s32 @!p0 $0x1082;
	s9 =	sld [smem:$0x3FB6]  }
0x2f: {  	lr =	sadd.s32 s0, s3;
	s0 =	sld [smem:$0x3FAD]  }
0x30: {  	s3 =	sld [smem:$0x3FB0]  }
0x31: {  	[smem:$0x3FB9] =	sst s10  }
0x32: {  	s10 =	sld [smem:$0x3FB7];
	_ =	sdelay $0x3  }
0x33: {  	p0 =	seq.s32 s10, $0x1;
	s10 =	sld [smem:$0x3FB9];
	_ =	sdelay $0x3  }
0x34: {  	[smem:$0x3FB9] =	sst s10  }
0x35: {  	s10 =	sld [smem:$0x3FB8];
	_ =	sdelay $0x3  }
0x36: {  	p1 =	seq.s32 s10, $0x1;
	s10 =	sld [smem:$0x3FB9];
	_ =	sdelay $0x3  }
0x37: {  	[smem:$0x3FB9] =	sst s10  }
0x38: {  	s10 =	sld [smem:$0x3FBA]  }
0x39: {  	_ = 	snop;
	(pc) =	sbr.ind lr, $3  }
0x3a: {  	_ = 	snop  }
0x3b: {  	_ = 	snop  }
0x3c: {  	p2 =	seq.s32 s10, $0x1;
	s10 =	sld [smem:$0x3FB9]  }
0x3d: {  	_ =	shalt  }
0x3e: {  	_ =	shalt  }
0x3f: {  	_ =	shalt  }
0x40: {  	_ =	shalt  }
0x41: {  	_ =	shalt  }
0x42: {  	_ =	shalt  }
0x43: {  	_ =	shalt  }
0x44: {  	_ =	shalt  }
0x45: {  	_ =	shalt  }
0x46: {  	_ =	shalt  }
0x47: {  	_ =	shalt  }
0x48: {  	_ =	shalt  }
0x49: {  	_ =	shalt  }
0x4a: {  	_ =	shalt  }
0x4b: {  	_ =	shalt  }
0x4c: {  	_ =	shalt  }
0x4d: {  	_ =	shalt  }
0x4e: {  	_ =	shalt  }
0x4f: {  	_ =	shalt  }
0x50: {  	_ =	shalt  }
0x51: {  	_ =	shalt  }
0x52: {  	_ =	shalt  }
0x53: {  	_ =	shalt  }
0x54: {  	_ =	shalt  }
0x55: {  	_ =	shalt  }
0x56: {  	_ =	shalt  }
0x57: {  	_ =	shalt  }
0x58: {  	_ =	shalt  }
0x59: {  	_ =	shalt  }
0x5a: {  	_ =	shalt  }
0x5b: {  	_ =	shalt  }
0x5c: {  	_ =	shalt  }
0x5d: {  	_ =	shalt  }
0x5e: {  	_ =	shalt  }
0x5f: {  	_ =	shalt  }
0x60: {  	_ =	shalt  }
0x61: {  	_ =	shalt  }
0x62: {  	_ =	shalt  }
0x63: {  	_ =	shalt  }
0x64: {  	_ =	shalt  }
0x65: {  	_ =	shalt  }
0x66: {  	_ =	shalt  }
0x67: {  	_ =	shalt  }
0x68: {  	_ =	shalt  }
0x69: {  	_ =	shalt  }
0x6a: {  	_ =	shalt  }
0x6b: {  	_ =	shalt  }
0x6c: {  	_ =	shalt  }
0x6d: {  	_ =	shalt  }
0x6e: {  	_ =	shalt  }
0x6f: {  	_ =	shalt  }
0x70: {  	_ =	shalt  }
0x71: {  	_ =	shalt  }
0x72: {  	_ =	shalt  }
0x73: {  	_ =	shalt  }
0x74: {  	_ =	shalt  }
0x75: {  	_ =	shalt  }
0x76: {  	_ =	shalt  }
0x77: {  	_ =	shalt  }
0x78: {  	_ =	shalt  }
0x79: {  	_ =	shalt  }
0x7a: {  	_ =	shalt  }
0x7b: {  	_ =	shalt  }
0x7c: {  	_ =	shalt  }
0x7d: {  	_ =	shalt  }
0x7e: {  	_ =	shalt  }
0x7f: {  	_ =	shalt  }
0x80: {  	_ =	shalt  }
0x81: {  	_ =	shalt  }
0x82: {  	_ =	shalt  }
0x83: {  	_ =	shalt  }
0x84: {  	_ =	shalt  }
0x85: {  	_ =	shalt  }
0x86: {  	_ =	shalt  }
0x87: {  	_ =	shalt  }
.Lfunc_end0:
.L_simem_size_0:
called_computation_lowered:
.L_overlay_start_0:
0x88: {  	s0 =	sld [smem:$0x3FD9]  }
0x89: {  	s1 =	sld [smem:$0x3FFE];
	_ =	sdelay $0x3  }
0x8a: {  	s0 =	sadd.s32 s1, s0  }
0x8b: {  	[smem:$0x3FC5] =	sst s0  }
0x8c: {  	_ = 	snop  }
0x8d: {  	s0 =	sld [smem:$0x3FC9]  }
0x8e: {  	s16 =	sld [smem:$0x3FD0];
	(tm) =	ssettm $0x1  }
0x8f: {  	s2 =	sld [smem:$0x3FFB];
	_ =	sdelay $0x3  }
0x90: {  	_ =	strace s2  }
0x91: {  	s2 =	sld [smem:$0x3FFC];
	_ =	sdelay $0x3  }
0x92: {  	_ =	strace s2  }
0x93: {  	s2 =	sld [smem:$0x3FFD];
	_ =	sdelay $0x3  }
0x94: {  	_ =	strace s2  }
0x95: {  	_ =	strace $0x8FFFFFFF  }
0x96: {  	s17 =	sld [smem:$0x3FDB];
	_ =	sdelay $0x1  }
0x97: {  	s3 =	simm.s32 $_scs_section_size  }
0x98: {  	s4 =	simm.s32 $_size__tile_overlayer_lowered;
	s5 =	simm.s32 $_tile_overlayer_lowered  }
0x99: {  	s20 =	simm.s32 $0x1BFF;
	s19 =	sshll.u32 s5, $0x1;
	s2 =	sadd.s32 s3, s17  }
0x9a: {  	s6 =	simm.s32 $0x0;
	s18 =	sshll.u32 s4, $0x1;
	s4 =	sadd.s32 s19, s2  }
0x9b: {  	[timem:s6], [sflag:s20] =	dma.local [hbm:s4], s18  }
0x9c: {  	_ =	swait.ge [sflag:s20], s18  }
0x9d: {  	s3 =	ssub.s32 $0x0, s18;
	[sflag:s20] =	ssyncset.done $0x0  }
0x9e: {  	[sflag:s20] =	ssyncadd.s32 s3;
	_ =	sdelay $0x1  }
0x9f: {  	s21 =	simm.s32 $0x1B8B  }
0xa0: {  	_ =	swait.ge [sflag:s21], $0x1  }
0xa1: {  	[sflag:s21] =	ssyncset.done $0x0  }
0xa2: {  	s23 =	simm.s32 $0x1B8E;
	s22 =	sld [smem:$0x3FFE];
	[sflag:s21] =	ssyncadd.s32 $0xFFFFFFFF  }
0xa3: {  	s24 =	simm.s32 $execute0_lowered;
	[smem:$0x3FD2] =	sst s23  }
0xa4: {  	s4 =	sshll.u32 s24, $0x1;
	_ =	strace $0x80000046;
	[dreg:$0x1] =	wrdreg $0xFFFFFFFF  }
0xa5: {  	s25 =	simm.s32 $_size_execute0_lowered;
	s2 =	sadd.s32 s2, s4;
	[dreg:$0x0] =	wrdreg $0x0  }
0xa6: {  	s4 =	sshll.u32 s25, $0x1;
	[dreg:$0x2] =	wrdreg s2  }
0xa7: {  	[dreg:$0x3] =	wrdreg s4  }
0xa8: {  	[dreg:$0x4] =	wrdreg $0xC0  }
0xa9: {  	_ =	task [dreg:s6], $0x5FFFF  }
0xaa: {  	[dreg:$0x1] =	wrdreg $0xFFFFFFFF  }
0xab: {  	[dreg:$0x0] =	wrdreg $0x60  }
0xac: {  	[dreg:$0x2] =	wrdreg s0  }
0xad: {  	[dreg:$0x3] =	wrdreg s22  }
0xae: {  	[dreg:$0x4] =	wrdreg s16  }
0xaf: {  	[dreg:$0x5] =	wrdreg $0x9  }
0xb0: {  	_ =	task.clear_ibuf [dreg:s6], $0x6FFFF;
	_ =	strace $0x90000046  }
0xb1: {  	s26 =	simm.s32 $0x9;
	_ =	strace $0x80000048  }
0xb2: {  	_ =	swait.ge [sflag:s26], $0x1  }
0xb3: {  	[sflag:s26] =	ssyncadd.s32 $0xFFFFFFFF  }
0xb4: {  	_ =	strace $0x90000048  }
0xb5: {  	_ =	sfence  }
0xb6: {  	s28 =	sld [smem:$0x0];
	_ =	sdelay $0x1  }
0xb7: {  	s29 =	srdreg.scid  }
0xb8: {  	s30 =	sshll.u32 s29, $0xD;
	s31 =	sshrl.u32 s29, $0x2  }
0xb9: {  	s1 =	sand.u32 $0x1, s29;
	s2 =	sand.u32 $0x4000, s30;
	s0 =	sadd.s32 s31, s28  }
0xba: {  	s1 =	sor.u32 s2, s1;
	s0 =	sshll.u32 s0, $0x11  }
0xbb: {  	s0 =	sor.u32 s0, s1  }
0xbc: {  	s0 =	sadd.s32 $0x8F2B, s0  }
0xbd: {  	[sflag:s0] =	ssyncadd.remote.s32 $0x1  }
0xbe: {  	_ =	sfence.sel $0xFFFF  }
0xbf: {  	[dreg:$0x0] =	wrdreg $0xFFFFFFFF;
	(pc) =	sbr.abs _section_cstart, $3  }
0xc0: {  	[dreg:$0x1] =	wrdreg $0xFFFFFFFF  }
0xc1: {  	_ =	task.clear_ibuf [dreg:s6], $0x2FFFF;
	_ =	strace $0x9FFFFFFF  }
0xc2: {  	(tm) =	ssettm $0x7FFFFFFF  }
0xc3: {  	_ =	shalt  }
tec
execute0_lowered:
.L_overlay_start_1:
0x0: {  	(tag) =	ssettag $0x1  }
0x1: {  	s1 =	stileid.u32  }
0x2: {  	p0 =	sgt.u32 s1, $0x7  }
.Ltmp0:
0x3: {  	s4 =	rddreg [dreg:$0x0];
	(pc) =	sbr.rel @p0 .LBB2_2-.Ltmp0, $4  }
0x4: {  	s7 =	rddreg [dreg:$0x1]  }
0x5: {  	s3 =	rddreg [dreg:$0x2];
	s2 =	simm.s32 $0x0  }
0x6: {  	[smem:$0x7FF] =	sst s2  }
0x7: {  	s0 =	rddreg [dreg:$0x3];
	_ =	strace $0x80000047  }
0x8: {  	[tilespmem:s2], [sflag:$0x1] =	stream.linear.gather [hbm4b:s4+s2], $0x1F80, $0x38;
	[tilespmem:$0x2500] =	vst v63  }
0x9: {  	s4 =	simm.s32 $0x1  }
0xa: {  	s5 =	smul.u32 $0x48, s1;
	_ =	swait.ge [sflag:s4], $0x1F80  }
0xb: {  	s6 =	sadd.s32 $0xA00, s7;
	[sflag:s4] =	ssyncset.done $0x0  }
0xc: {  	s26 =	simm.s32 $0x1F80;
	s5 =	sadd.s32 s6, s5;
	[sflag:s4] =	ssyncadd.s32 $0xFFFFE080  }
0xd: {  	[tilespmem:s26], [sflag:$0x1] =	stream.linear.gather [hbm4b:s5+s2], $0x240, $0x38;
	[tilespmem:$0x2500] =	vst v63  }
0xe: {  	_ =	swait.ge [sflag:s4], $0x240  }
0xf: {  	s28 =	sadd.s32 $0xE00, s7;
	s8 =	sshll.u32 s1, $0x2;
	[sflag:s4] =	ssyncset.done $0x0  }
0x10: {  	s29 =	simm.s32 $0x2200;
	s8 =	sadd.s32 s28, s8;
	[sflag:s4] =	ssyncadd.s32 $0xFFFFFDC0  }
0x11: {  	[tilespmem:s29], [sflag:$0x1] =	stream.linear.gather [hbm4b:s8+s2], $0x20, $0x38;
	[tilespmem:$0x2500] =	vst v63  }
0x12: {  	v0 =	vlaneseq.u32;
	_ =	swait.ge [sflag:s4], $0x20  }
0x13: {  	v1 =	vmul.u32 $0x24, v0;
	[sflag:s4] =	ssyncset.done $0x0  }
0x14: {  	s30 =	sadd.s32 $0x1000, s7;
	s31 =	simm.s32 $0x2280;
	[sflag:s4] =	ssyncadd.s32 $0xFFFFFFE0  }
0x15: {  	v2 =	vor.u32 $0x1, v1;
	[tilespmem:s31], [sflag:$0x1] =	stream.linear.gather [hbm4b:s30+s2], $0x80, $0x38;
	[tilespmem:$0x2500] =	vst v63  }
0x16: {  	v3 =	vor.u32 $0x2, v1;
	_ =	swait.ge [sflag:s4], $0x80  }
0x17: {  	v4 =	vor.u32 $0x3, v1;
	[sflag:s4] =	ssyncset.done $0x0  }
0x18: {  	v5 =	vadd.s32 $0x4, v1;
	[sflag:s4] =	ssyncadd.s32 $0xFFFFFF80  }
0x19: {  	v7 =	vadd.s32 $0x5, v1;
	v6 =	vld.idx.msk [tilespmem:v1+s26+$0x0], $0xffff  }
0x1a: {  	v8 =	vadd.s32 $0x6, v1;
	v2 =	vld.idx.msk [tilespmem:v2+s26+$0x0], $0xffff  }
0x1b: {  	v9 =	vadd.s32 $0x7, v1;
	v3 =	vld.idx.msk [tilespmem:v3+s26+$0x0], $0xffff  }
0x1c: {  	v10 =	vadd.s32 $0x8, v1;
	v4 =	vld.idx.msk [tilespmem:v4+s26+$0x0], $0xffff  }
0x1d: {  	v11 =	vadd.s32 $0x9, v1;
	v5 =	vld.idx.msk [tilespmem:v5+s26+$0x0], $0xffff  }
0x1e: {  	v12 =	vadd.s32 $0xA, v1;
	v7 =	vld.idx.msk [tilespmem:v7+s26+$0x0], $0xffff  }
0x1f: {  	v13 =	vadd.s32 $0xC, v1;
	v8 =	vld.idx.msk [tilespmem:v8+s26+$0x0], $0xffff  }
0x20: {  	v14 =	vadd.s32 $0xD, v1;
	v9 =	vld.idx.msk [tilespmem:v9+s26+$0x0], $0xffff  }
0x21: {  	v15 =	vadd.s32 $0xF, v1;
	v10 =	vld.idx.msk [tilespmem:v10+s26+$0x0], $0xffff  }
0x22: {  	v16 =	vadd.s32 $0x10, v1;
	v11 =	vld.idx.msk [tilespmem:v11+s26+$0x0], $0xffff  }
0x23: {  	v17 =	vadd.s32 $0xB, v1;
	v12 =	vld.idx.msk [tilespmem:v12+s26+$0x0], $0xffff  }
0x24: {  	v19 =	vadd.s32 $0x11, v1;
	v13 =	vld.idx.msk [tilespmem:v13+s26+$0x0], $0xffff  }
0x25: {  	v18 =	vadd.s32 $0xE, v1;
	v14 =	vld.idx.msk [tilespmem:v14+s26+$0x0], $0xffff  }
0x26: {  	v27 =	vadd.s32 $0x1D, v1;
	v15 =	vld.idx.msk [tilespmem:v15+s26+$0x0], $0xffff  }
0x27: {  	v53 =	vld.idx.msk [tilespmem:v16+s26+$0x0], $0xffff;
	v16 =	vadd.s32 $0x12, v1  }
0x28: {  	v56 =	vld.idx.msk [tilespmem:v17+s26+$0x0], $0xffff;
	v17 =	vadd.s32 $0x13, v1  }
0x29: {  	v61 =	vld.idx.msk [tilespmem:v19+s26+$0x0], $0xffff;
	v19 =	vadd.s32 $0x15, v1  }
0x2a: {  	v20 =	vadd.s32 $0x16, v1;
	v58 =	vld.idx.msk [tilespmem:v18+s26+$0x0], $0xffff  }
0x2b: {  	v21 =	vadd.s32 $0x17, v1;
	v23 =	vadd.s32 $0x19, v1;
	v29 =	vld.idx.msk [tilespmem:v27+s26+$0x0], $0xffff  }
0x2c: {  	v24 =	vadd.s32 $0x1A, v1;
	v25 =	vadd.s32 $0x1B, v1;
	v54 =	vmul.u32 $0x190, v8;
	v8 =	vld.idx.msk [tilespmem:v16+s26+$0x0], $0xffff  }
0x2d: {  	v6 =	vmul.u32 $0x190, v6;
	v2 =	vmul.u32 $0x14, v2;
	v55 =	vmul.u32 $0x14, v9;
	v9 =	vld.idx.msk [tilespmem:v17+s26+$0x0], $0xffff  }
0x2e: {  	v18 =	vadd.s32 $0x14, v1;
	v4 =	vmul.u32 $0x190, v4;
	v59 =	vmul.u32 $0x190, v11;
	v11 =	vld.idx.msk [tilespmem:v19+s26+$0x0], $0xffff  }
0x2f: {  	v5 =	vmul.u32 $0x14, v5;
	v60 =	vmul.u32 $0x14, v12;
	v12 =	vld.idx.msk [tilespmem:v20+s26+$0x0], $0xffff;
	v2 =	vadd.s32 v6, v2  }
0x30: {  	v62 =	vmul.u32 $0x190, v13;
	v13 =	vld.idx.msk [tilespmem:v21+s26+$0x0], $0xffff;
	v2 =	vadd.s32 v3, v2  }
0x31: {  	v26 =	vadd.s32 $0x1C, v1;
	v63 =	vmul.u32 $0x14, v14;
	v16 =	vld.idx.msk [tilespmem:v24+s26+$0x0], $0xffff;
	v4 =	vadd.s32 v4, v5  }
0x32: {  	v22 =	vadd.s32 $0x18, v1;
	v17 =	vld.idx.msk [tilespmem:v25+s26+$0x0], $0xffff;
	v5 =	vadd.s32 v54, v55;
	v57 =	vadd.s32 v7, v4  }
0x33: {  	v14 =	vmul.u32 $0x190, v15;
	v15 =	vadd.s32 v62, v63;
	v5 =	vadd.s32 v10, v5;
	v10 =	vld.idx.msk [tilespmem:v18+s26+$0x0], $0xffff  }
0x34: {  	v20 =	vadd.s32 $0x1E, v1;
	v4 =	vadd.s32 v58, v15;
	v15 =	vld.idx.msk [tilespmem:v23+s26+$0x0], $0xffff  }
0x35: {  	v0 =	vmul.u32 $0x2, v0;
	v21 =	vadd.s32 $0x1F, v1;
	v2 =	vld.idx.msk [tilespmem:v2+s2+$0x0], $0xffff  }
0x36: {  	v6 =	vmul.u32 $0x14, v53;
	v18 =	vld.idx.msk [tilespmem:v26+s26+$0x0], $0xffff  }
0x37: {  	v30 =	vadd.s32 $0x20, v1;
	v42 =	vor.u32 $0x1, v0;
	v7 =	vadd.s32 v59, v60;
	v3 =	vld.idx.msk [tilespmem:v57+s2+$0x0], $0xffff  }
0x38: {  	v23 =	vadd.s32 $0x22, v1;
	v7 =	vadd.s32 v56, v7;
	v6 =	vadd.s32 v14, v6;
	v14 =	vld.idx.msk [tilespmem:v22+s26+$0x0], $0xffff  }
0x39: {  	v22 =	vadd.s32 $0x21, v1;
	v1 =	vadd.s32 $0x23, v1;
	v6 =	vadd.s32 v61, v6;
	v32 =	vld.idx.msk [tilespmem:v20+s26+$0x0], $0xffff  }
0x3a: {  	v8 =	vmul.u32 $0x190, v8;
	v9 =	vmul.u32 $0x14, v9;
	v35 =	vld.idx.msk [tilespmem:v21+s26+$0x0], $0xffff;
	v2 =	vmax.f32 v2, $0.0e+00  }
0x3b: {  	v11 =	vmul.u32 $0x190, v11;
	v12 =	vmul.u32 $0x14, v12;
	v5 =	vld.idx.msk [tilespmem:v5+s2+$0x0], $0xffff;
	v2 =	vmin.f32 v2, $1.000000000e+00  }
0x3c: {  	v28 =	vadd.s32 v8, v9;
	v9 =	vld.idx.msk [tilespmem:v30+s26+$0x0], $0xffff;
	v3 =	vmax.f32 v3, $0.0e+00;
	v2 =	vadd.f32 $0.0e+00, v2  }
0x3d: {  	v40 =	vmul.u32 $0x190, v17;
	v41 =	vmul.u32 $0x14, v18;
	v7 =	vld.idx.msk [tilespmem:v7+s2+$0x0], $0xffff;
	v3 =	vmin.f32 v3, $1.000000000e+00  }
0x3e: {  	v31 =	vadd.s32 v11, v12;
	v4 =	vld.idx.msk [tilespmem:v4+s2+$0x0], $0xffff;
	v2 =	vadd.f32 v3, v2;
	v3 =	vadd.s32 v10, v28  }
0x3f: {  	v34 =	vmul.u32 $0x14, v15;
	v39 =	vld.idx.msk [tilespmem:v23+s26+$0x0], $0xffff;
	v33 =	vmul.u32 $0x190, v14;
	v14 =	vadd.s32 v40, v41  }
0x40: {  	v36 =	vld.idx.msk [tilespmem:v22+s26+$0x0], $0xffff;
	v11 =	vmul.u32 $0x190, v32;
	v5 =	vmax.f32 v5, $0.0e+00;
	v10 =	vadd.s32 v13, v31  }
0x41: {  	v6 =	vld.idx.msk [tilespmem:v6+s2+$0x0], $0xffff;
	v15 =	vmul.u32 $0x14, v35;
	v38 =	vadd.s32 v33, v34;
	v5 =	vmin.f32 v5, $1.000000000e+00  }
0x42: {  	v1 =	vld.idx.msk [tilespmem:v1+s26+$0x0], $0xffff;
	v37 =	vmax.f32 v7, $0.0e+00;
	v7 =	vadd.s32 v16, v38;
	v2 =	vadd.f32 v5, v2  }
0x43: {  	v8 =	vadd.s32 v29, v14;
	v5 =	vmin.f32 v37, $1.000000000e+00;
	v3 =	vld.idx.msk [tilespmem:v3+s2+$0x0], $0xffff  }
0x44: {  	v0 =	vld.idx.msk [tilespmem:v0+s29+$0x0], $0xffff;
	v44 =	vadd.s32 v11, v15;
	v4 =	vmax.f32 v4, $0.0e+00;
	v2 =	vadd.f32 v5, v2  }
0x45: {  	v12 =	vmul.u32 $0x14, v39;
	v4 =	vmin.f32 v4, $1.000000000e+00;
	v45 =	vmul.u32 $0x190, v36;
	v43 =	vld.idx.msk [tilespmem:v10+s2+$0x0], $0xffff  }
0x46: {  	v50 =	vld.idx.msk [tilespmem:v42+s29+$0x0], $0xffff;
	v48 =	vadd.s32 v9, v44;
	v46 =	vmax.f32 v6, $0.0e+00;
	v2 =	vadd.f32 v4, v2  }
0x47: {  	v49 =	vadd.s32 v45, v12;
	v47 =	vld.idx.msk [tilespmem:v7+s2+$0x0], $0xffff;
	v4 =	vmin.f32 v46, $1.000000000e+00  }
0x48: {  	v1 =	vadd.s32 v1, v49;
	v2 =	vadd.f32 v4, v2;
	v3 =	vmax.f32 v3, $0.0e+00  }
0x49: {  	v51 =	vld.idx.msk [tilespmem:v8+s2+$0x0], $0xffff;
	v3 =	vmin.f32 v3, $1.000000000e+00  }
0x4a: {  	v0 =	vmul.u32 $0x14, v0;
	v52 =	vmax.f32 v43, $0.0e+00;
	v2 =	vadd.f32 v3, v2  }
0x4b: {  	v53 =	vld.idx.msk [tilespmem:v48+s2+$0x0], $0xffff;
	v3 =	vmin.f32 v52, $1.000000000e+00  }
0x4c: {  	v0 =	vadd.s32 v50, v0;
	v54 =	vmax.f32 v47, $0.0e+00;
	v2 =	vadd.f32 v3, v2  }
0x4d: {  	v1 =	vld.idx.msk [tilespmem:v1+s2+$0x0], $0xffff;
	v3 =	vmin.f32 v54, $1.000000000e+00  }
0x4e: {  	v55 =	vmax.f32 v51, $0.0e+00;
	v2 =	vadd.f32 v3, v2  }
0x4f: {  	v3 =	vmin.f32 v55, $1.000000000e+00  }
0x50: {  	v56 =	vmax.f32 v53, $0.0e+00;
	v2 =	vadd.f32 v3, v2  }
0x51: {  	v0 =	vld.idx.msk [tilespmem:v0+s2+$0x0], $0xffff;
	v3 =	vmin.f32 v56, $1.000000000e+00  }
0x52: {  	v1 =	vmax.f32 v1, $0.0e+00;
	v2 =	vadd.f32 v3, v2  }
0x53: {  	v1 =	vmin.f32 v1, $1.000000000e+00  }
0x54: {  	v1 =	vadd.f32 v1, v2;
	_ =	sdelay $0x1  }
0x55: {  	v57 =	vmax.f32 v0, $0.0e+00;
	v0 =	vld [tilespmem:$0x2280];
	v2 =	vmul.f32 $8.333333580e-02, v1  }
0x56: {  	v58 =	vmin.f32 v57, $1.000000000e+00;
	v1 =	vld [tilespmem:$0x2290]  }
0x57: {  	v2 =	vmul.f32 v58, v2;
	_ =	sdelay $0x1  }
0x58: {  	v3 =	vbroadcast v2, $0x0;
	_ =	sdelay $0x1  }
0x59: {  	v59 =	vmul.f32 v3, v0;
	v3 =	vmul.f32 v3, v1  }
0x5a: {  	vm0 =	vmmov $0x1f  }
0x5b: {  	v3 =	vnsel vm0, $0xF149F2CA, v3;
	(xrf0) =	vmax.scan.msk.f32 $0xffff, v59  }
0x5c: {  	(xrf0) =	vmax.scan.msk.f32 $0xffff, v3;
	_ =	sdelay $0x4  }
0x5d: {  	v60, _, _ =	vpop (xrf0)  }
0x5e: {  	(v2sf) =	vpush v60, $0xF;
	v61, _, _ =	vpop (xrf0)  }
0x5f: {  	(v2sf) =	vpush v61, $0xF;
	_ =	sdelay $0xd  }
0x60: {  	s9 =	spop (v2sf)  }
0x61: {  	s10 =	spop (v2sf)  }
0x62: {  	s5 =	smax.f32 s9, s10  }
0x63: {  	v62 =	vmov s5  }
0x64: {  	v4 =	vsub.f32 v59, v62  }
0x65: {  	v3 =	vsub.f32 v3, v62  }
0x66: {  	v4 =	vmul.f32 $1.442695020e+00, v4  }
0x67: {  	v3 =	vmul.f32 $1.442695020e+00, v3  }
0x68: {  	(erf) = vpow2.f32 v4  }
0x69: {  	(erf) = vpow2.f32 v3;
	_ =	sdelay $0x7  }
0x6a: {  	v3 =	vpop (erf)  }
0x6b: {  	v4 =	vpop (erf);
	(xrf2) =	vadd.scan.msk.f32 $0xffff, v3  }
0x6c: {  	(xrf2) =	vadd.scan.msk.f32 $0xffff, v4  }
0x6d: {  	v63 =	vbroadcast v2, $0x1;
	_ =	sdelay $0x1  }
0x6e: {  	v9 =	vmul.f32 v63, v0;
	v5 =	vmul.f32 v63, v1;
	_ =	sdelay $0x1  }
0x6f: {  	v5 =	vnsel vm0, $0xF149F2CA, v5;
	(xrf0) =	vmax.scan.msk.f32 $0xffff, v9  }
0x70: {  	(xrf0) =	vmax.scan.msk.f32 $0xffff, v5;
	_ =	sdelay $0x2  }
0x71: {  	v10, _, _ =	vpop (xrf2)  }
0x72: {  	(v2sf) =	vpush v10, $0xF;
	v11, _, _ =	vpop (xrf2)  }
0x73: {  	v12, _, _ =	vpop (xrf0);
	(v2sf) =	vpush v11, $0xF  }
0x74: {  	v13, _, _ =	vpop (xrf0);
	(v2sf) =	vpush v12, $0xF  }
0x75: {  	(v2sf) =	vpush v13, $0xF;
	_ =	sdelay $0xb  }
0x76: {  	s11 =	spop (v2sf)  }
0x77: {  	s12 =	spop (v2sf)  }
0x78: {  	s13 =	spop (v2sf)  }
0x79: {  	s14 =	spop (v2sf)  }
0x7a: {  	s7 =	smax.f32 s13, s14  }
0x7b: {  	v14 =	vmov s7  }
0x7c: {  	s5 =	sadd.f32 s12, s11;
	v6 =	vsub.f32 v9, v14  }
0x7d: {  	v5 =	vsub.f32 v5, v14  }
0x7e: {  	v15 =	vmov s5;
	v6 =	vmul.f32 $1.442695020e+00, v6  }
0x7f: {  	(erf) = vrcp.f32 v15;
	v5 =	vmul.f32 $1.442695020e+00, v5  }
0x80: {  	(erf) = vpow2.f32 v6  }
0x81: {  	(erf) = vpow2.f32 v5;
	_ =	sdelay $0x6  }
0x82: {  	v7 =	vpop (erf)  }
0x83: {  	v5 =	vpop (erf)  }
0x84: {  	v6 =	vpop (erf);
	(xrf2) =	vadd.scan.msk.f32 $0xffff, v5  }
0x85: {  	(xrf2) =	vadd.scan.msk.f32 $0xffff, v6  }
0x86: {  	v16 =	vbroadcast v2, $0x2;
	_ =	sdelay $0x1  }
0x87: {  	v17 =	vmul.f32 v16, v0;
	v8 =	vmul.f32 v16, v1;
	_ =	sdelay $0x1  }
0x88: {  	v8 =	vnsel vm0, $0xF149F2CA, v8;
	(xrf0) =	vmax.scan.msk.f32 $0xffff, v17  }
0x89: {  	(xrf0) =	vmax.scan.msk.f32 $0xffff, v8;
	_ =	sdelay $0x2  }
0x8a: {  	v18, _, _ =	vpop (xrf2)  }
0x8b: {  	(v2sf) =	vpush v18, $0xF;
	v19, _, _ =	vpop (xrf2)  }
0x8c: {  	v20, _, _ =	vpop (xrf0);
	(v2sf) =	vpush v19, $0xF  }
0x8d: {  	v21, _, _ =	vpop (xrf0);
	(v2sf) =	vpush v20, $0xF  }
0x8e: {  	(v2sf) =	vpush v21, $0xF;
	_ =	sdelay $0xb  }
0x8f: {  	s15 =	spop (v2sf)  }
0x90: {  	s16 =	spop (v2sf)  }
0x91: {  	s17 =	spop (v2sf)  }
0x92: {  	s18 =	spop (v2sf)  }
0x93: {  	s7 =	smax.f32 s17, s18  }
0x94: {  	v22 =	vmov s7  }
0x95: {  	s5 =	sadd.f32 s16, s15;
	v9 =	vsub.f32 v17, v22  }
0x96: {  	v8 =	vsub.f32 v8, v22  }
0x97: {  	v23 =	vmov s5;
	v9 =	vmul.f32 $1.442695020e+00, v9  }
0x98: {  	(erf) = vrcp.f32 v23;
	v8 =	vmul.f32 $1.442695020e+00, v8  }
0x99: {  	(erf) = vpow2.f32 v9  }
0x9a: {  	(erf) = vpow2.f32 v8;
	_ =	sdelay $0x6  }
0x9b: {  	v10 =	vpop (erf)  }
0x9c: {  	v8 =	vpop (erf)  }
0x9d: {  	v9 =	vpop (erf);
	(xrf2) =	vadd.scan.msk.f32 $0xffff, v8  }
0x9e: {  	(xrf2) =	vadd.scan.msk.f32 $0xffff, v9  }
0x9f: {  	v24 =	vbroadcast v2, $0x3;
	_ =	sdelay $0x1  }
0xa0: {  	v25 =	vmul.f32 v24, v0;
	v11 =	vmul.f32 v24, v1;
	_ =	sdelay $0x1  }
0xa1: {  	(xrf0) =	vmax.scan.msk.f32 $0xffff, v25;
	v11 =	vnsel vm0, $0xF149F2CA, v11  }
0xa2: {  	(xrf0) =	vmax.scan.msk.f32 $0xffff, v11;
	_ =	sdelay $0x2  }
0xa3: {  	v26, _, _ =	vpop (xrf2)  }
0xa4: {  	(v2sf) =	vpush v26, $0xF;
	v27, _, _ =	vpop (xrf2)  }
0xa5: {  	v28, _, _ =	vpop (xrf0);
	(v2sf) =	vpush v27, $0xF  }
0xa6: {  	v29, _, _ =	vpop (xrf0);
	(v2sf) =	vpush v28, $0xF  }
0xa7: {  	(v2sf) =	vpush v29, $0xF;
	_ =	sdelay $0xb  }
0xa8: {  	s19 =	spop (v2sf)  }
0xa9: {  	s20 =	spop (v2sf)  }
0xaa: {  	s21 =	spop (v2sf)  }
0xab: {  	s22 =	spop (v2sf)  }
0xac: {  	s7 =	smax.f32 s21, s22  }
0xad: {  	v30 =	vmov s7  }
0xae: {  	s5 =	sadd.f32 s20, s19;
	v12 =	vsub.f32 v25, v30  }
0xaf: {  	v11 =	vsub.f32 v11, v30  }
0xb0: {  	v31 =	vmov s5;
	v12 =	vmul.f32 $1.442695020e+00, v12  }
0xb1: {  	(erf) = vrcp.f32 v31;
	v11 =	vmul.f32 $1.442695020e+00, v11  }
0xb2: {  	(erf) = vpow2.f32 v12  }
0xb3: {  	(erf) = vpow2.f32 v11;
	_ =	sdelay $0x6  }
0xb4: {  	v13 =	vpop (erf)  }
0xb5: {  	v12 =	vpop (erf)  }
0xb6: {  	v11 =	vpop (erf);
	(xrf2) =	vadd.scan.msk.f32 $0xffff, v12  }
0xb7: {  	(xrf2) =	vadd.scan.msk.f32 $0xffff, v11  }
0xb8: {  	v32 =	vbroadcast v2, $0x4;
	_ =	sdelay $0x1  }
0xb9: {  	v33 =	vmul.f32 v32, v0;
	v14 =	vmul.f32 v32, v1;
	_ =	sdelay $0x1  }
0xba: {  	(xrf0) =	vmax.scan.msk.f32 $0xffff, v33;
	v14 =	vnsel vm0, $0xF149F2CA, v14  }
0xbb: {  	(xrf0) =	vmax.scan.msk.f32 $0xffff, v14;
	_ =	sdelay $0x2  }
0xbc: {  	v34, _, _ =	vpop (xrf2)  }
0xbd: {  	(v2sf) =	vpush v34, $0xF;
	v35, _, _ =	vpop (xrf2)  }
0xbe: {  	v36, _, _ =	vpop (xrf0);
	(v2sf) =	vpush v35, $0xF  }
0xbf: {  	v37, _, _ =	vpop (xrf0);
	(v2sf) =	vpush v36, $0xF  }
0xc0: {  	(v2sf) =	vpush v37, $0xF;
	_ =	sdelay $0xb  }
0xc1: {  	s23 =	spop (v2sf)  }
0xc2: {  	s24 =	spop (v2sf)  }
0xc3: {  	s25 =	spop (v2sf)  }
0xc4: {  	s26 =	spop (v2sf)  }
0xc5: {  	s7 =	smax.f32 s25, s26  }
0xc6: {  	v38 =	vmov s7  }
0xc7: {  	s5 =	sadd.f32 s24, s23;
	v15 =	vsub.f32 v33, v38  }
0xc8: {  	v14 =	vsub.f32 v14, v38  }
0xc9: {  	v39 =	vmov s5;
	v15 =	vmul.f32 $1.442695020e+00, v15  }
0xca: {  	(erf) = vrcp.f32 v39;
	v14 =	vmul.f32 $1.442695020e+00, v14  }
0xcb: {  	(erf) = vpow2.f32 v15  }
0xcc: {  	(erf) = vpow2.f32 v14;
	_ =	sdelay $0x6  }
0xcd: {  	v16 =	vpop (erf)  }
0xce: {  	v14 =	vpop (erf)  }
0xcf: {  	v15 =	vpop (erf);
	(xrf2) =	vadd.scan.msk.f32 $0xffff, v14  }
0xd0: {  	(xrf2) =	vadd.scan.msk.f32 $0xffff, v15  }
0xd1: {  	v40 =	vbroadcast v2, $0x5;
	_ =	sdelay $0x1  }
0xd2: {  	v41 =	vmul.f32 v40, v0;
	v17 =	vmul.f32 v40, v1;
	_ =	sdelay $0x1  }
0xd3: {  	(xrf0) =	vmax.scan.msk.f32 $0xffff, v41;
	v17 =	vnsel vm0, $0xF149F2CA, v17  }
0xd4: {  	(xrf0) =	vmax.scan.msk.f32 $0xffff, v17;
	_ =	sdelay $0x2  }
0xd5: {  	v42, _, _ =	vpop (xrf2)  }
0xd6: {  	(v2sf) =	vpush v42, $0xF;
	v43, _, _ =	vpop (xrf2)  }
0xd7: {  	v44, _, _ =	vpop (xrf0);
	(v2sf) =	vpush v43, $0xF  }
0xd8: {  	v45, _, _ =	vpop (xrf0);
	(v2sf) =	vpush v44, $0xF  }
0xd9: {  	(v2sf) =	vpush v45, $0xF;
	_ =	sdelay $0xb  }
0xda: {  	s28 =	spop (v2sf)  }
0xdb: {  	s29 =	spop (v2sf)  }
0xdc: {  	s30 =	spop (v2sf)  }
0xdd: {  	s31 =	spop (v2sf)  }
0xde: {  	s7 =	smax.f32 s30, s31  }
0xdf: {  	v46 =	vmov s7  }
0xe0: {  	s5 =	sadd.f32 s29, s28;
	v18 =	vsub.f32 v41, v46  }
0xe1: {  	v17 =	vsub.f32 v17, v46  }
0xe2: {  	v47 =	vmov s5;
	v18 =	vmul.f32 $1.442695020e+00, v18  }
0xe3: {  	(erf) = vrcp.f32 v47;
	v17 =	vmul.f32 $1.442695020e+00, v17  }
0xe4: {  	(erf) = vpow2.f32 v18  }
0xe5: {  	(erf) = vpow2.f32 v17;
	_ =	sdelay $0x6  }
0xe6: {  	v19 =	vpop (erf)  }
0xe7: {  	v17 =	vpop (erf)  }
0xe8: {  	v18 =	vpop (erf);
	(xrf2) =	vadd.scan.msk.f32 $0xffff, v17  }
0xe9: {  	(xrf2) =	vadd.scan.msk.f32 $0xffff, v18  }
0xea: {  	v48 =	vbroadcast v2, $0x6;
	_ =	sdelay $0x1  }
0xeb: {  	v49 =	vmul.f32 v48, v0;
	v20 =	vmul.f32 v48, v1;
	_ =	sdelay $0x1  }
0xec: {  	v20 =	vnsel vm0, $0xF149F2CA, v20;
	(xrf0) =	vmax.scan.msk.f32 $0xffff, v49  }
0xed: {  	(xrf0) =	vmax.scan.msk.f32 $0xffff, v20;
	_ =	sdelay $0x2  }
0xee: {  	v50, _, _ =	vpop (xrf2)  }
0xef: {  	(v2sf) =	vpush v50, $0xF;
	v51, _, _ =	vpop (xrf2)  }
0xf0: {  	v52, _, _ =	vpop (xrf0);
	(v2sf) =	vpush v51, $0xF  }
0xf1: {  	v53, _, _ =	vpop (xrf0);
	(v2sf) =	vpush v52, $0xF  }
0xf2: {  	(v2sf) =	vpush v53, $0xF;
	_ =	sdelay $0xb  }
0xf3: {  	s9 =	spop (v2sf)  }
0xf4: {  	s10 =	spop (v2sf)  }
0xf5: {  	s11 =	spop (v2sf)  }
0xf6: {  	s12 =	spop (v2sf)  }
0xf7: {  	s7 =	smax.f32 s11, s12  }
0xf8: {  	v54 =	vmov s7  }
0xf9: {  	s5 =	sadd.f32 s10, s9;
	v21 =	vsub.f32 v49, v54  }
0xfa: {  	v20 =	vsub.f32 v20, v54  }
0xfb: {  	v55 =	vmov s5;
	v21 =	vmul.f32 $1.442695020e+00, v21  }
0xfc: {  	(erf) = vrcp.f32 v55;
	v20 =	vmul.f32 $1.442695020e+00, v20  }
0xfd: {  	(erf) = vpow2.f32 v21  }
0xfe: {  	(erf) = vpow2.f32 v20;
	_ =	sdelay $0x6  }
0xff: {  	v22 =	vpop (erf)  }
0x100: {  	v20 =	vpop (erf)  }
0x101: {  	v21 =	vpop (erf);
	(xrf2) =	vadd.scan.msk.f32 $0xffff, v20  }
0x102: {  	(xrf2) =	vadd.scan.msk.f32 $0xffff, v21  }
0x103: {  	v56 =	vbroadcast v2, $0x7;
	_ =	sdelay $0x1  }
0x104: {  	v24 =	vmul.f32 v56, v0;
	v23 =	vmul.f32 v56, v1;
	_ =	sdelay $0x1  }
0x105: {  	v23 =	vnsel vm0, $0xF149F2CA, v23;
	(xrf0) =	vmax.scan.msk.f32 $0xffff, v24  }
0x106: {  	(xrf0) =	vmax.scan.msk.f32 $0xffff, v23;
	_ =	sdelay $0x2  }
0x107: {  	v25, _, _ =	vpop (xrf2)  }
0x108: {  	(v2sf) =	vpush v25, $0xF;
	v57, _, _ =	vpop (xrf2)  }
0x109: {  	v58, _, _ =	vpop (xrf0);
	(v2sf) =	vpush v57, $0xF  }
0x10a: {  	v59, _, _ =	vpop (xrf0);
	(v2sf) =	vpush v58, $0xF  }
0x10b: {  	(v2sf) =	vpush v59, $0xF;
	_ =	sdelay $0xb  }
0x10c: {  	s13 =	spop (v2sf)  }
0x10d: {  	s14 =	spop (v2sf)  }
0x10e: {  	s15 =	spop (v2sf)  }
0x10f: {  	s16 =	spop (v2sf)  }
0x110: {  	s7 =	smax.f32 s15, s16  }
0x111: {  	v60 =	vmov s7  }
0x112: {  	s5 =	sadd.f32 s14, s13;
	v24 =	vsub.f32 v24, v60  }
0x113: {  	v23 =	vsub.f32 v23, v60  }
0x114: {  	v61 =	vmov s5;
	v24 =	vmul.f32 $1.442695020e+00, v24  }
0x115: {  	(erf) = vrcp.f32 v61;
	v23 =	vmul.f32 $1.442695020e+00, v23  }
0x116: {  	(erf) = vpow2.f32 v24  }
0x117: {  	(erf) = vpow2.f32 v23;
	_ =	sdelay $0x6  }
0x118: {  	v25 =	vpop (erf)  }
0x119: {  	v23 =	vpop (erf)  }
0x11a: {  	v24 =	vpop (erf);
	(xrf2) =	vadd.scan.msk.f32 $0xffff, v23  }
0x11b: {  	(xrf2) =	vadd.scan.msk.f32 $0xffff, v24  }
0x11c: {  	v26 =	vbroadcast v2, $0x8;
	_ =	sdelay $0x1  }
0x11d: {  	v27 =	vmul.f32 v26, v0;
	v26 =	vmul.f32 v26, v1;
	_ =	sdelay $0x1  }
0x11e: {  	v26 =	vnsel vm0, $0xF149F2CA, v26;
	(xrf0) =	vmax.scan.msk.f32 $0xffff, v27  }
0x11f: {  	(xrf0) =	vmax.scan.msk.f32 $0xffff, v26;
	_ =	sdelay $0x2  }
0x120: {  	v28, _, _ =	vpop (xrf2)  }
0x121: {  	(v2sf) =	vpush v28, $0xF;
	v62, _, _ =	vpop (xrf2)  }
0x122: {  	v63, _, _ =	vpop (xrf0);
	(v2sf) =	vpush v62, $0xF  }
0x123: {  	v32, _, _ =	vpop (xrf0);
	(v2sf) =	vpush v63, $0xF  }
0x124: {  	(v2sf) =	vpush v32, $0xF;
	_ =	sdelay $0xb  }
0x125: {  	s17 =	spop (v2sf)  }
0x126: {  	s18 =	spop (v2sf)  }
0x127: {  	s19 =	spop (v2sf)  }
0x128: {  	s20 =	spop (v2sf)  }
0x129: {  	s7 =	smax.f32 s19, s20  }
0x12a: {  	v33 =	vmov s7  }
0x12b: {  	s5 =	sadd.f32 s18, s17;
	v27 =	vsub.f32 v27, v33  }
0x12c: {  	v26 =	vsub.f32 v26, v33  }
0x12d: {  	v34 =	vmov s5;
	v27 =	vmul.f32 $1.442695020e+00, v27  }
0x12e: {  	(erf) = vrcp.f32 v34;
	v26 =	vmul.f32 $1.442695020e+00, v26  }
0x12f: {  	(erf) = vpow2.f32 v27  }
0x130: {  	(erf) = vpow2.f32 v26;
	_ =	sdelay $0x6  }
0x131: {  	v28 =	vpop (erf)  }
0x132: {  	v26 =	vpop (erf)  }
0x133: {  	v27 =	vpop (erf);
	(xrf2) =	vadd.scan.msk.f32 $0xffff, v26  }
0x134: {  	(xrf2) =	vadd.scan.msk.f32 $0xffff, v27  }
0x135: {  	v29 =	vbroadcast v2, $0x9;
	_ =	sdelay $0x1  }
0x136: {  	v30 =	vmul.f32 v29, v0;
	v29 =	vmul.f32 v29, v1;
	_ =	sdelay $0x1  }
0x137: {  	v29 =	vnsel vm0, $0xF149F2CA, v29;
	(xrf0) =	vmax.scan.msk.f32 $0xffff, v30  }
0x138: {  	(xrf0) =	vmax.scan.msk.f32 $0xffff, v29;
	_ =	sdelay $0x2  }
0x139: {  	v31, _, _ =	vpop (xrf2)  }
0x13a: {  	(v2sf) =	vpush v31, $0xF;
	v35, _, _ =	vpop (xrf2)  }
0x13b: {  	v36, _, _ =	vpop (xrf0);
	(v2sf) =	vpush v35, $0xF  }
0x13c: {  	v37, _, _ =	vpop (xrf0);
	(v2sf) =	vpush v36, $0xF  }
0x13d: {  	(v2sf) =	vpush v37, $0xF;
	_ =	sdelay $0xb  }
0x13e: {  	s21 =	spop (v2sf)  }
0x13f: {  	s22 =	spop (v2sf)  }
0x140: {  	s23 =	spop (v2sf)  }
0x141: {  	s24 =	spop (v2sf)  }
0x142: {  	s7 =	smax.f32 s23, s24  }
0x143: {  	v38 =	vmov s7  }
0x144: {  	s5 =	sadd.f32 s22, s21;
	v30 =	vsub.f32 v30, v38  }
0x145: {  	v29 =	vsub.f32 v29, v38  }
0x146: {  	v39 =	vmov s5;
	v30 =	vmul.f32 $1.442695020e+00, v30  }
0x147: {  	(erf) = vrcp.f32 v39;
	v29 =	vmul.f32 $1.442695020e+00, v29  }
0x148: {  	(erf) = vpow2.f32 v30  }
0x149: {  	(erf) = vpow2.f32 v29;
	_ =	sdelay $0x6  }
0x14a: {  	v31 =	vpop (erf)  }
0x14b: {  	v29 =	vpop (erf)  }
0x14c: {  	v30 =	vpop (erf);
	(xrf2) =	vadd.scan.msk.f32 $0xffff, v29  }
0x14d: {  	(xrf2) =	vadd.scan.msk.f32 $0xffff, v30  }
0x14e: {  	v32 =	vbroadcast v2, $0xA;
	_ =	sdelay $0x1  }
0x14f: {  	v33 =	vmul.f32 v32, v0;
	v32 =	vmul.f32 v32, v1;
	_ =	sdelay $0x1  }
0x150: {  	v32 =	vnsel vm0, $0xF149F2CA, v32;
	(xrf0) =	vmax.scan.msk.f32 $0xffff, v33  }
0x151: {  	(xrf0) =	vmax.scan.msk.f32 $0xffff, v32;
	_ =	sdelay $0x2  }
0x152: {  	v34, _, _ =	vpop (xrf2)  }
0x153: {  	(v2sf) =	vpush v34, $0xF;
	v40, _, _ =	vpop (xrf2)  }
0x154: {  	v41, _, _ =	vpop (xrf0);
	(v2sf) =	vpush v40, $0xF  }
0x155: {  	v42, _, _ =	vpop (xrf0);
	(v2sf) =	vpush v41, $0xF  }
0x156: {  	(v2sf) =	vpush v42, $0xF;
	_ =	sdelay $0xb  }
0x157: {  	s25 =	spop (v2sf)  }
0x158: {  	s26 =	spop (v2sf)  }
0x159: {  	s28 =	spop (v2sf)  }
0x15a: {  	s29 =	spop (v2sf)  }
0x15b: {  	s7 =	smax.f32 s28, s29  }
0x15c: {  	v43 =	vmov s7  }
0x15d: {  	s5 =	sadd.f32 s26, s25;
	v33 =	vsub.f32 v33, v43  }
0x15e: {  	v32 =	vsub.f32 v32, v43  }
0x15f: {  	v44 =	vmov s5;
	v33 =	vmul.f32 $1.442695020e+00, v33  }
0x160: {  	(erf) = vrcp.f32 v44;
	v32 =	vmul.f32 $1.442695020e+00, v32  }
0x161: {  	(erf) = vpow2.f32 v33  }
0x162: {  	(erf) = vpow2.f32 v32;
	_ =	sdelay $0x6  }
0x163: {  	v34 =	vpop (erf)  }
0x164: {  	v32 =	vpop (erf)  }
0x165: {  	v33 =	vpop (erf);
	(xrf2) =	vadd.scan.msk.f32 $0xffff, v32  }
0x166: {  	(xrf2) =	vadd.scan.msk.f32 $0xffff, v33  }
0x167: {  	v35 =	vbroadcast v2, $0xB;
	_ =	sdelay $0x1  }
0x168: {  	v36 =	vmul.f32 v35, v0;
	v35 =	vmul.f32 v35, v1;
	_ =	sdelay $0x1  }
0x169: {  	v35 =	vnsel vm0, $0xF149F2CA, v35;
	(xrf0) =	vmax.scan.msk.f32 $0xffff, v36  }
0x16a: {  	(xrf0) =	vmax.scan.msk.f32 $0xffff, v35;
	_ =	sdelay $0x2  }
0x16b: {  	v37, _, _ =	vpop (xrf2)  }
0x16c: {  	(v2sf) =	vpush v37, $0xF;
	v45, _, _ =	vpop (xrf2)  }
0x16d: {  	v46, _, _ =	vpop (xrf0);
	(v2sf) =	vpush v45, $0xF  }
0x16e: {  	v47, _, _ =	vpop (xrf0);
	(v2sf) =	vpush v46, $0xF  }
0x16f: {  	(v2sf) =	vpush v47, $0xF;
	_ =	sdelay $0xb  }
0x170: {  	s30 =	spop (v2sf)  }
0x171: {  	s31 =	spop (v2sf)  }
0x172: {  	s9 =	spop (v2sf)  }
0x173: {  	s10 =	spop (v2sf)  }
0x174: {  	s7 =	smax.f32 s9, s10  }
0x175: {  	v48 =	vmov s7  }
0x176: {  	s5 =	sadd.f32 s31, s30;
	v36 =	vsub.f32 v36, v48  }
0x177: {  	v35 =	vsub.f32 v35, v48  }
0x178: {  	v49 =	vmov s5;
	v36 =	vmul.f32 $1.442695020e+00, v36  }
0x179: {  	(erf) = vrcp.f32 v49;
	v35 =	vmul.f32 $1.442695020e+00, v35  }
0x17a: {  	(erf) = vpow2.f32 v36  }
0x17b: {  	(erf) = vpow2.f32 v35;
	_ =	sdelay $0x6  }
0x17c: {  	v37 =	vpop (erf)  }
0x17d: {  	v36 =	vpop (erf)  }
0x17e: {  	v35 =	vpop (erf);
	(xrf2) =	vadd.scan.msk.f32 $0xffff, v36  }
0x17f: {  	(xrf2) =	vadd.scan.msk.f32 $0xffff, v35  }
0x180: {  	v38 =	vbroadcast v2, $0xC;
	_ =	sdelay $0x1  }
0x181: {  	v39 =	vmul.f32 v38, v0;
	v38 =	vmul.f32 v38, v1;
	_ =	sdelay $0x1  }
0x182: {  	v38 =	vnsel vm0, $0xF149F2CA, v38;
	(xrf0) =	vmax.scan.msk.f32 $0xffff, v39  }
0x183: {  	(xrf0) =	vmax.scan.msk.f32 $0xffff, v38;
	_ =	sdelay $0x2  }
0x184: {  	v40, _, _ =	vpop (xrf2)  }
0x185: {  	(v2sf) =	vpush v40, $0xF;
	v50, _, _ =	vpop (xrf2)  }
0x186: {  	v51, _, _ =	vpop (xrf0);
	(v2sf) =	vpush v50, $0xF  }
0x187: {  	v52, _, _ =	vpop (xrf0);
	(v2sf) =	vpush v51, $0xF  }
0x188: {  	(v2sf) =	vpush v52, $0xF;
	_ =	sdelay $0xb  }
0x189: {  	s11 =	spop (v2sf)  }
0x18a: {  	s12 =	spop (v2sf)  }
0x18b: {  	s13 =	spop (v2sf)  }
0x18c: {  	s14 =	spop (v2sf)  }
0x18d: {  	s7 =	smax.f32 s13, s14  }
0x18e: {  	v53 =	vmov s7  }
0x18f: {  	s5 =	sadd.f32 s12, s11;
	v39 =	vsub.f32 v39, v53  }
0x190: {  	v38 =	vsub.f32 v38, v53  }
0x191: {  	v54 =	vmov s5;
	v39 =	vmul.f32 $1.442695020e+00, v39  }
0x192: {  	(erf) = vrcp.f32 v54;
	v38 =	vmul.f32 $1.442695020e+00, v38  }
0x193: {  	(erf) = vpow2.f32 v39  }
0x194: {  	(erf) = vpow2.f32 v38;
	_ =	sdelay $0x6  }
0x195: {  	v40 =	vpop (erf)  }
0x196: {  	v38 =	vpop (erf)  }
0x197: {  	v39 =	vpop (erf);
	(xrf2) =	vadd.scan.msk.f32 $0xffff, v38  }
0x198: {  	(xrf2) =	vadd.scan.msk.f32 $0xffff, v39  }
0x199: {  	v41 =	vbroadcast v2, $0xD;
	_ =	sdelay $0x1  }
0x19a: {  	v42 =	vmul.f32 v41, v0;
	v41 =	vmul.f32 v41, v1;
	_ =	sdelay $0x1  }
0x19b: {  	v41 =	vnsel vm0, $0xF149F2CA, v41;
	(xrf0) =	vmax.scan.msk.f32 $0xffff, v42  }
0x19c: {  	(xrf0) =	vmax.scan.msk.f32 $0xffff, v41;
	_ =	sdelay $0x2  }
0x19d: {  	v43, _, _ =	vpop (xrf2)  }
0x19e: {  	(v2sf) =	vpush v43, $0xF;
	v55, _, _ =	vpop (xrf2)  }
0x19f: {  	v56, _, _ =	vpop (xrf0);
	(v2sf) =	vpush v55, $0xF  }
0x1a0: {  	v57, _, _ =	vpop (xrf0);
	(v2sf) =	vpush v56, $0xF  }
0x1a1: {  	(v2sf) =	vpush v57, $0xF;
	_ =	sdelay $0xb  }
0x1a2: {  	s15 =	spop (v2sf)  }
0x1a3: {  	s16 =	spop (v2sf)  }
0x1a4: {  	s17 =	spop (v2sf)  }
0x1a5: {  	s18 =	spop (v2sf)  }
0x1a6: {  	s7 =	smax.f32 s17, s18  }
0x1a7: {  	v58 =	vmov s7  }
0x1a8: {  	s5 =	sadd.f32 s16, s15;
	v42 =	vsub.f32 v42, v58  }
0x1a9: {  	v41 =	vsub.f32 v41, v58  }
0x1aa: {  	v59 =	vmov s5;
	v42 =	vmul.f32 $1.442695020e+00, v42  }
0x1ab: {  	(erf) = vrcp.f32 v59;
	v41 =	vmul.f32 $1.442695020e+00, v41  }
0x1ac: {  	(erf) = vpow2.f32 v42  }
0x1ad: {  	(erf) = vpow2.f32 v41;
	_ =	sdelay $0x6  }
0x1ae: {  	v43 =	vpop (erf)  }
0x1af: {  	v41 =	vpop (erf)  }
0x1b0: {  	v42 =	vpop (erf);
	(xrf2) =	vadd.scan.msk.f32 $0xffff, v41  }
0x1b1: {  	(xrf2) =	vadd.scan.msk.f32 $0xffff, v42  }
0x1b2: {  	v44 =	vbroadcast v2, $0xE;
	_ =	sdelay $0x1  }
0x1b3: {  	v45 =	vmul.f32 v44, v0;
	v44 =	vmul.f32 v44, v1;
	_ =	sdelay $0x1  }
0x1b4: {  	v44 =	vnsel vm0, $0xF149F2CA, v44;
	(xrf0) =	vmax.scan.msk.f32 $0xffff, v45  }
0x1b5: {  	(xrf0) =	vmax.scan.msk.f32 $0xffff, v44;
	_ =	sdelay $0x2  }
0x1b6: {  	v46, _, _ =	vpop (xrf2)  }
0x1b7: {  	(v2sf) =	vpush v46, $0xF;
	v60, _, _ =	vpop (xrf2)  }
0x1b8: {  	v61, _, _ =	vpop (xrf0);
	(v2sf) =	vpush v60, $0xF  }
0x1b9: {  	v62, _, _ =	vpop (xrf0);
	(v2sf) =	vpush v61, $0xF  }
0x1ba: {  	(v2sf) =	vpush v62, $0xF;
	_ =	sdelay $0xb  }
0x1bb: {  	s19 =	spop (v2sf)  }
0x1bc: {  	s20 =	spop (v2sf)  }
0x1bd: {  	s21 =	spop (v2sf)  }
0x1be: {  	s22 =	spop (v2sf)  }
0x1bf: {  	s7 =	smax.f32 s21, s22  }
0x1c0: {  	v63 =	vmov s7  }
0x1c1: {  	s5 =	sadd.f32 s20, s19;
	v45 =	vsub.f32 v45, v63  }
0x1c2: {  	v44 =	vsub.f32 v44, v63  }
0x1c3: {  	v48 =	vmov s5;
	v45 =	vmul.f32 $1.442695020e+00, v45  }
0x1c4: {  	(erf) = vrcp.f32 v48;
	v44 =	vmul.f32 $1.442695020e+00, v44  }
0x1c5: {  	(erf) = vpow2.f32 v45  }
0x1c6: {  	(erf) = vpow2.f32 v44;
	_ =	sdelay $0x6  }
0x1c7: {  	v46 =	vpop (erf)  }
0x1c8: {  	v44 =	vpop (erf)  }
0x1c9: {  	v45 =	vpop (erf);
	(xrf2) =	vadd.scan.msk.f32 $0xffff, v44  }
0x1ca: {  	(xrf2) =	vadd.scan.msk.f32 $0xffff, v45  }
0x1cb: {  	v2 =	vbroadcast v2, $0xF;
	_ =	sdelay $0x1  }
0x1cc: {  	v0 =	vmul.f32 v2, v0;
	v1 =	vmul.f32 v2, v1;
	_ =	sdelay $0x1  }
0x1cd: {  	v1 =	vnsel vm0, $0xF149F2CA, v1;
	(xrf0) =	vmax.scan.msk.f32 $0xffff, v0  }
0x1ce: {  	(xrf0) =	vmax.scan.msk.f32 $0xffff, v1;
	_ =	sdelay $0x2  }
0x1cf: {  	v49, _, _ =	vpop (xrf2)  }
0x1d0: {  	(v2sf) =	vpush v49, $0xF;
	v50, _, _ =	vpop (xrf2)  }
0x1d1: {  	v47, _, _ =	vpop (xrf0);
	(v2sf) =	vpush v50, $0xF  }
0x1d2: {  	v51, _, _ =	vpop (xrf0);
	(v2sf) =	vpush v47, $0xF  }
0x1d3: {  	(v2sf) =	vpush v51, $0xF;
	_ =	sdelay $0xb  }
0x1d4: {  	s23 =	spop (v2sf)  }
0x1d5: {  	s24 =	spop (v2sf)  }
0x1d6: {  	s25 =	spop (v2sf)  }
0x1d7: {  	s26 =	spop (v2sf)  }
0x1d8: {  	s7 =	smax.f32 s25, s26  }
0x1d9: {  	v3 =	vmul.f32 v7, v3;
	v53 =	vmov s7  }
0x1da: {  	s5 =	sadd.f32 s24, s23;
	v0 =	vsub.f32 v0, v53  }
0x1db: {  	[tilespmem:$0x2300] =	vst v3;
	v52 =	vmul.f32 v7, v4;
	v1 =	vsub.f32 v1, v53  }
0x1dc: {  	[tilespmem:$0x2380] =	vst v3;
	v5 =	vmul.f32 v10, v5;
	v56 =	vmov s5;
	v0 =	vmul.f32 $1.442695020e+00, v0  }
0x1dd: {  	[tilespmem:$0x2310] =	vst v52;
	(erf) = vrcp.f32 v56;
	v1 =	vmul.f32 $1.442695020e+00, v1  }
0x1de: {  	[tilespmem:$0x2395] =	vst v5;
	v54 =	vld [tilespmem:$0x2305];
	v55 =	vmul.f32 v10, v6;
	(erf) = vpow2.f32 v0  }
0x1df: {  	v23 =	vmul.f32 v28, v23;
	[tilespmem:$0x2300] =	vst v5;
	(erf) = vpow2.f32 v1  }
0x1e0: {  	v26 =	vmul.f32 v31, v26;
	[tilespmem:$0x2310] =	vst v55  }
0x1e1: {  	[tilespmem:$0x2413] =	vst v23;
	v10 =	vmul.f32 v19, v15;
	v15 =	vmul.f32 v22, v17;
	v57 =	vld [tilespmem:$0x2305]  }
0x1e2: {  	[tilespmem:$0x2428] =	vst v26;
	v17 =	vmul.f32 v25, v21;
	v21 =	vmul.f32 v28, v24  }
0x1e3: {  	[tilespmem:$0x2385] =	vst v54;
	v28 =	vmul.f32 v34, v30;
	v30 =	vmul.f32 v34, v29  }
0x1e4: {  	[tilespmem:$0x23E9] =	vst v15  }
0x1e5: {  	[tilespmem:$0x243D] =	vst v30;
	v59 =	vmul.f32 v13, v8  }
0x1e6: {  	[tilespmem:$0x239A] =	vst v57;
	v62 =	vpop (erf)  }
0x1e7: {  	v58 =	vmul.f32 v13, v9;
	[tilespmem:$0x2300] =	vst v59;
	v63 =	vpop (erf)  }
0x1e8: {  	[tilespmem:$0x23AA] =	vst v59;
	v54 =	vmul.f32 v43, v38;
	v60 =	vmul.f32 v16, v12;
	v12 =	vpop (erf);
	(xrf2) =	vadd.scan.msk.f32 $0xffff, v63  }
0x1e9: {  	[tilespmem:$0x2310] =	vst v58;
	(xrf2) =	vadd.scan.msk.f32 $0xffff, v12  }
0x1ea: {  	[tilespmem:$0x247C] =	vst v54;
	v61 =	vmul.f32 v16, v11;
	v11 =	vmul.f32 v19, v14  }
0x1eb: {  	v14 =	vmul.f32 v22, v18;
	v18 =	vmul.f32 v25, v20;
	[tilespmem:$0x23BF] =	vst v60  }
0x1ec: {  	[tilespmem:$0x23D4] =	vst v11;
	v49 =	vmul.f32 v40, v36  }
0x1ed: {  	[tilespmem:$0x23FE] =	vst v18;
	v47 =	vmul.f32 v37, v32  }
0x1ee: {  	[tilespmem:$0x2467] =	vst v49;
	v56 =	vmul.f32 v46, v41  }
0x1ef: {  	[tilespmem:$0x2452] =	vst v47  }
0x1f0: {  	[tilespmem:$0x2491] =	vst v56  }
0x1f1: {  	v1 =	vld [tilespmem:$0x2305];
	[tilespmem:$0x2300] =	vst v60  }
0x1f2: {  	[tilespmem:$0x2310] =	vst v61;
	v19, _, _ =	vpop (xrf2)  }
0x1f3: {  	v9 =	vld [tilespmem:$0x2305];
	[tilespmem:$0x2310] =	vst v10;
	(v2sf) =	vpush v19, $0xF;
	v22, _, _ =	vpop (xrf2)  }
0x1f4: {  	[tilespmem:$0x2300] =	vst v11;
	(v2sf) =	vpush v22, $0xF  }
0x1f5: {  	v13 =	vld [tilespmem:$0x2305];
	[tilespmem:$0x2310] =	vst v14  }
0x1f6: {  	[tilespmem:$0x2300] =	vst v15  }
0x1f7: {  	v16 =	vld [tilespmem:$0x2305];
	[tilespmem:$0x2310] =	vst v17  }
0x1f8: {  	[tilespmem:$0x2300] =	vst v18  }
0x1f9: {  	v20 =	vld [tilespmem:$0x2305];
	[tilespmem:$0x2310] =	vst v21  }
0x1fa: {  	v25 =	vmul.f32 v31, v27;
	[tilespmem:$0x2300] =	vst v23  }
0x1fb: {  	[tilespmem:$0x23AF] =	vst v1  }
0x1fc: {  	v24 =	vld [tilespmem:$0x2305];
	[tilespmem:$0x2310] =	vst v25  }
0x1fd: {  	[tilespmem:$0x2300] =	vst v26  }
0x1fe: {  	[tilespmem:$0x23C4] =	vst v9  }
0x1ff: {  	v59 =	vmul.f32 v62, v44;
	v27 =	vld [tilespmem:$0x2305];
	[tilespmem:$0x2310] =	vst v28  }
0x200: {  	[tilespmem:$0x2300] =	vst v30  }
0x201: {  	v34 =	vmul.f32 v37, v33;
	[tilespmem:$0x24A6] =	vst v59  }
0x202: {  	[tilespmem:$0x23D9] =	vst v13;
	s28 =	spop (v2sf)  }
0x203: {  	v31 =	vld [tilespmem:$0x2305];
	[tilespmem:$0x2310] =	vst v34;
	s29 =	spop (v2sf)  }
0x204: {  	[tilespmem:$0x2300] =	vst v47;
	s5 =	sadd.f32 s29, s28  }
0x205: {  	v50 =	vmul.f32 v40, v35;
	[tilespmem:$0x23EE] =	vst v16  }
0x206: {  	v48 =	vld [tilespmem:$0x2305];
	[tilespmem:$0x2300] =	vst v49;
	v51 =	vmov s5  }
0x207: {  	v53 =	vmul.f32 v43, v39;
	[tilespmem:$0x2310] =	vst v50;
	(erf) = vrcp.f32 v51  }
0x208: {  	[tilespmem:$0x2403] =	vst v20  }
0x209: {  	v52 =	vld [tilespmem:$0x2305];
	[tilespmem:$0x2310] =	vst v53  }
0x20a: {  	v55 =	vmul.f32 v46, v42;
	[tilespmem:$0x2300] =	vst v54  }
0x20b: {  	[tilespmem:$0x2418] =	vst v24  }
0x20c: {  	v57 =	vld [tilespmem:$0x2305];
	[tilespmem:$0x2310] =	vst v55  }
0x20d: {  	v58 =	vmul.f32 v62, v45;
	[tilespmem:$0x2300] =	vst v56  }
0x20e: {  	[tilespmem:$0x242D] =	vst v27  }
0x20f: {  	v60 =	vld [tilespmem:$0x2305];
	[tilespmem:$0x2310] =	vst v58  }
0x210: {  	[tilespmem:$0x2300] =	vst v59;
	v61 =	vpop (erf)  }
0x211: {  	[tilespmem:$0x2442] =	vst v31;
	v0 =	vmul.f32 v61, v63  }
0x212: {  	[tilespmem:$0x2457] =	vst v48;
	v2 =	vmul.f32 v61, v12  }
0x213: {  	v62 =	vld [tilespmem:$0x2305];
	[tilespmem:$0x2300] =	vst v0  }
0x214: {  	[tilespmem:$0x2310] =	vst v2  }
0x215: {  	[tilespmem:$0x246C] =	vst v52;
	v63 =	vld [tilespmem:$0x2305]  }
0x216: {  	[tilespmem:$0x2481] =	vst v57  }
0x217: {  	[tilespmem:$0x2496] =	vst v60  }
0x218: {  	s30 =	smul.u32 $0x2A, s1;
	[tilespmem:$0x24AB] =	vst v62  }
0x219: {  	[tilespmem:$0x24BB] =	vst v0  }
0x21a: {  	s31 =	simm.s32 $0x2380;
	s3 =	sadd.s32 s3, s30;
	[tilespmem:$0x24C0] =	vst v63  }
0x21b: {  	[hbm4b:s3+s2] =	stream.linear.scatter [tilespmem:s31], [sflag:$0x1], $0x150, $0x38;
	[tilespmem:$0x2500] =	vst v63  }
0x21c: {  	_ =	swait.ge [sflag:s4], $0x150  }
0x21d: {  	[sflag:s4] =	ssyncset.done $0x0  }
0x21e: {  	[sflag:s4] =	ssyncadd.s32 $0xFFFFFEB0  }
.LBB2_2:
0x21f: {  	_ =	sfence.sel $0x180000  }
0x220: {  	[bflag:$0x0] =	sbarrier.arrive $0xFFFF  }
0x221: {  	p0 =	sne.s32 s1, $0x0;
	_ =	strace $0x90000047  }
0x222: {  	s0 =	sadd.s32 @!p0 $0x100000, s0;
	[bflag:$0x2] =	sbarrier.arrive $0xFFFF  }
0x223: {  	[sflag:s0] =	ssyncadd.tile.s32 @!p0 $0x1;
	_ =	shalt  }
.Lfunc_end2:
_tile_overlayer_lowered:
.L_overlay_start_2:
0x224: {  	(tag) =	ssettag $0x2  }
0x225: {  	s0 =	rddreg [dreg:$0x0];
	s2 =	stileid.u32  }
0x226: {  	s1 =	rddreg [dreg:$0x1];
	p0 =	sne.s32 s2, $0x0  }
0x227: {  	s3 =	rddreg [dreg:$0x2];
	[bflag:$0x3] =	sbarrier.arrive $0xFFFF;
	s2 =	simm.s32 @!p0 $0x1C01  }
0x228: {  	[timem:s3], [sflag:s2] =	dma.local @!p0 [hbm:s0], s1  }
0x229: {  	s0 =	simm.s32 @!p0 $0x1  }
0x22a: {  	_ =	swait.ge @!p0 [sflag:s0], s1  }
0x22b: {  	s1 =	ssub.s32 @!p0 $0x0, s1;
	[sflag:s0] =	ssyncset.done @!p0 $0x0  }
0x22c: {  	[sflag:s0] =	ssyncadd.s32 @!p0 s1  }
0x22d: {  	[bflag:$0x3] =	sbarrier.arrive $0xFFFF  }
0x22e: {  	_ =	shalt  }

</sc_bundles>
